<compile_context>
chip_gen: v7x
topology: tpu7x:2x2x1
jax: 0.10.2.dev20260603
libtpu: 0.0.44.dev20260713+nightly
codegen_flags: <defaults>
</compile_context>

<pallas_src>
import functools

import jax
import jax.numpy as jnp
from jax import lax
from jax.experimental import pallas as pl
from jax.experimental.pallas import tpu as pltpu
from jax.experimental.pallas import tpu_sc as plsc

N_NODES = 10000
N_EDGES = 320000
D_FEAT = 128

NUM_CORES = 2
NUM_SUBCORES = 16
LANES = 16
NW = NUM_CORES * NUM_SUBCORES
E_PER_W = N_EDGES // NW
CHUNK = 80
N_CHUNKS = E_PER_W // CHUNK
GROUPS = CHUNK // LANES

_mesh = plsc.VectorSubcoreMesh(core_axis_name="c", subcore_axis_name="s")


@functools.partial(
    pl.kernel,
    mesh=_mesh,
    compiler_params=pltpu.CompilerParams(needs_layout_passes=False),
    out_type=jax.ShapeDtypeStruct((N_EDGES,), jnp.float32),
    scratch_types=[
        pltpu.VMEM((CHUNK,), jnp.int32),
        pltpu.VMEM((CHUNK,), jnp.int32),
        pltpu.VMEM((CHUNK, D_FEAT), jnp.float32),
        pltpu.VMEM((CHUNK, D_FEAT), jnp.float32),
        pltpu.VMEM((CHUNK,), jnp.float32),
        pltpu.SemaphoreType.DMA,
        pltpu.SemaphoreType.DMA,
    ],
)
def _edge_dot_kernel(h_hbm, src_hbm, dst_hbm, out_hbm,
                     idx_u, idx_v, rows_u, rows_v, out_v, sem_u, sem_v):
    wid = lax.axis_index("s") * NUM_CORES + lax.axis_index("c")
    base_w = wid * E_PER_W
    lane = lax.iota(jnp.int32, LANES)

    def chunk_body(i, carry):
        base = base_w + i * CHUNK
        pltpu.sync_copy(src_hbm.at[pl.ds(base, CHUNK)], idx_u)
        pltpu.sync_copy(dst_hbm.at[pl.ds(base, CHUNK)], idx_v)
        cu = pltpu.async_copy(h_hbm.at[idx_u], rows_u, sem_u)
        cv = pltpu.async_copy(h_hbm.at[idx_v], rows_v, sem_v)
        cu.wait()
        cv.wait()

        def group_body(g, carry2):
            tot = jnp.zeros((LANES,), jnp.float32)
            for e in range(LANES):
                row = g * LANES + e
                acc = None
                for k in range(D_FEAT // LANES):
                    uu = rows_u[row, pl.ds(k * LANES, LANES)]
                    vv = rows_v[row, pl.ds(k * LANES, LANES)]
                    p = uu * vv
                    acc = p if acc is None else acc + p
                tot = jnp.where(lane == e, jnp.sum(acc), tot)
            score = 1.0 / (1.0 + jnp.exp(-tot))
            out_v[pl.ds(g * LANES, LANES)] = score
            return carry2

        lax.fori_loop(0, GROUPS, group_body, 0)
        pltpu.sync_copy(out_v, out_hbm.at[pl.ds(base, CHUNK)])
        return carry

    lax.fori_loop(0, N_CHUNKS, chunk_body, 0)


def kernel(h, edge_index):
    ei = edge_index.astype(jnp.int32)
    return _edge_dot_kernel(h, ei[0], ei[1])

# --- scband reference (transcript-rebuilt; emitter-appended) ---
"""Pipeline reference for scband-dot-predictor-54692113547268 (READ-ONLY COPY).

The authoritative reference and input builder live on the scoring server;
editing this copy changes nothing except your own understanding.
"""

import jax, jax.numpy as jnp
import numpy as np

N_NODES = 10000
N_EDGES = 320000
D_FEAT = 128

def setup_inputs(seed: int = 0) -> dict:
    key = jax.random.key(seed)
    k1, k2 = jax.random.split(key)
    h = jax.random.normal(k1, (N_NODES, D_FEAT), dtype=jnp.float32)
    edge_index = jax.random.randint(k2, (2, N_EDGES), 0, N_NODES, dtype=jnp.int64)
    return {"h": h, "edge_index": edge_index}

def reference(h, edge_index):
    # DGL u_dot_v: for each edge e=(u,v), score[e] = dot(h[u], h[v]), then sigmoid.
    src = edge_index[0]
    dst = edge_index[1]
    h_u = jnp.take(h, src, axis=0)  # gather source node features [E, d]
    h_v = jnp.take(h, dst, axis=0)  # gather destination node features [E, d]
    score = jnp.sum(h_u * h_v, axis=-1)  # per-edge dot product [E]
    return jax.nn.sigmoid(score)

if __name__ == "__main__":
    import jax
    _d = setup_inputs()
    print(jax.jit(kernel)(*tuple(_d.values())))

</pallas_src>

<mosaic_0001>
#map = affine_map<(d0, d1) -> (0, 0)>
#map1 = affine_map<(d0, d1) -> (0)>
module attributes {stable_mosaic.version = 14 : i64} {
  func.func @_edge_dot_kernel(%arg0: i32, %arg1: i32, %arg2: memref<10000x128xf32, #tpu.memory_space<hbm>>, %arg3: memref<320000xi32, #tpu.memory_space<hbm>>, %arg4: memref<320000xi32, #tpu.memory_space<hbm>>, %arg5: memref<320000xf32, #tpu.memory_space<hbm>>, %arg6: memref<80xi32, #tpu.memory_space<vmem>>, %arg7: memref<80xi32, #tpu.memory_space<vmem>>, %arg8: memref<80x128xf32, #tpu.memory_space<vmem>>, %arg9: memref<80x128xf32, #tpu.memory_space<vmem>>, %arg10: memref<80xf32, #tpu.memory_space<vmem>>, %arg11: memref<!tpu.dma_semaphore, #tpu.memory_space<semaphore_mem>>, %arg12: memref<!tpu.dma_semaphore, #tpu.memory_space<semaphore_mem>>) attributes {dimension_semantics = [#tpu.dimension_semantics<core_parallel>, #tpu.dimension_semantics<subcore_parallel>], iteration_bounds = array<i64: 2, 16>, scalar_prefetch = 0 : i64, scratch_operands = 7 : i64, tpu.core_type = #tpu.core_type<sc_vector_subcore>, window_params = [{transform_indices = #map}, {transform_indices = #map1}, {transform_indices = #map1}, {transform_indices = #map1}]} {
    %mul3A = arith.constant 2 : i32
    %mul3A_0 = arith.muli %arg1, %mul3A : i32
    %add3A = arith.addi %mul3A_0, %arg0 : i32
    %mul3A_1 = arith.constant 10000 : i32
    %mul3A_2 = arith.muli %add3A, %mul3A_1 : i32
    %iota3A = tpu.iota {dimensions = array<i32: 0>} : vector<16xi32>
    %scan3A = arith.constant 0 : i32
    %scan3A_3 = arith.constant 0 : i32
    %scan3A_4 = arith.constant 125 : i32
    %scan3A_5 = arith.addi %scan3A_3, %scan3A_4 : i32
    %scan3A_6 = arith.constant 1 : i32
    scf.for %scan3A_8 = %scan3A_3 to %scan3A_5 step %scan3A_6  : i32 {
      %mul3A_9 = arith.constant 80 : i32
      %mul3A_10 = arith.muli %scan3A_8, %mul3A_9 : i32
      %add3A_11 = arith.addi %mul3A_2, %mul3A_10 : i32
      "tpu.region"() ({
        %run_scoped3A = tpu.sem_alloc : memref<!tpu.dma_semaphore, #tpu.memory_space<semaphore_mem>>
        %dma_start3A_28 = tpu.memref_slice %arg3[%add3A_11] : memref<320000xi32, #tpu.memory_space<hbm>> -> memref<80xi32, #tpu.memory_space<hbm>>
        %dma_start3A_29 = tpu.memref_slice %arg3[%add3A_11] : memref<320000xi32, #tpu.memory_space<hbm>> -> memref<80xi32, #tpu.memory_space<hbm>>
        tpu.enqueue_dma source(%dma_start3A_29 : memref<80xi32, #tpu.memory_space<hbm>>) target(%arg6 : memref<80xi32, #tpu.memory_space<vmem>>) target_semaphore(%run_scoped3A : memref<!tpu.dma_semaphore, #tpu.memory_space<semaphore_mem>>)
        %dma_wait3A_30 = tpu.memref_slice %arg3[%add3A_11] : memref<320000xi32, #tpu.memory_space<hbm>> -> memref<80xi32, #tpu.memory_space<hbm>>
        %dma_wait3A_31 = tpu.memref_slice %arg3[%add3A_11] : memref<320000xi32, #tpu.memory_space<hbm>> -> memref<80xi32, #tpu.memory_space<hbm>>
        tpu.wait_dma2 semaphore(%run_scoped3A : memref<!tpu.dma_semaphore, #tpu.memory_space<semaphore_mem>>) src(%dma_wait3A_31 : memref<80xi32, #tpu.memory_space<hbm>>) dst(%arg6 : memref<80xi32, #tpu.memory_space<vmem>>)
        tpu.yield
      }) : () -> ()
      "tpu.region"() ({
        %run_scoped3A = tpu.sem_alloc : memref<!tpu.dma_semaphore, #tpu.memory_space<semaphore_mem>>
        %dma_start3A_28 = tpu.memref_slice %arg4[%add3A_11] : memref<320000xi32, #tpu.memory_space<hbm>> -> memref<80xi32, #tpu.memory_space<hbm>>
        %dma_start3A_29 = tpu.memref_slice %arg4[%add3A_11] : memref<320000xi32, #tpu.memory_space<hbm>> -> memref<80xi32, #tpu.memory_space<hbm>>
        tpu.enqueue_dma source(%dma_start3A_29 : memref<80xi32, #tpu.memory_space<hbm>>) target(%arg7 : memref<80xi32, #tpu.memory_space<vmem>>) target_semaphore(%run_scoped3A : memref<!tpu.dma_semaphore, #tpu.memory_space<semaphore_mem>>)
        %dma_wait3A_30 = tpu.memref_slice %arg4[%add3A_11] : memref<320000xi32, #tpu.memory_space<hbm>> -> memref<80xi32, #tpu.memory_space<hbm>>
        %dma_wait3A_31 = tpu.memref_slice %arg4[%add3A_11] : memref<320000xi32, #tpu.memory_space<hbm>> -> memref<80xi32, #tpu.memory_space<hbm>>
        tpu.wait_dma2 semaphore(%run_scoped3A : memref<!tpu.dma_semaphore, #tpu.memory_space<semaphore_mem>>) src(%dma_wait3A_31 : memref<80xi32, #tpu.memory_space<hbm>>) dst(%arg7 : memref<80xi32, #tpu.memory_space<vmem>>)
        tpu.yield
      }) : () -> ()
      %dma_start3A = arith.constant 0 : i32
      %dma_start3A_12 = arith.constant 0 : i32
      %dma_start3A_13 = tpu.memref_slice %arg2[%dma_start3A, %dma_start3A_12] : memref<10000x128xf32, #tpu.memory_space<hbm>> -> memref<10000x128xf32, #tpu.memory_space<hbm>>
      tpu.enqueue_indirect_dma source(%dma_start3A_13 : memref<10000x128xf32, #tpu.memory_space<hbm>>) target(%arg8 : memref<80x128xf32, #tpu.memory_space<vmem>>) offsets(%arg6 : memref<80xi32, #tpu.memory_space<vmem>>) semaphore(%arg11 : memref<!tpu.dma_semaphore, #tpu.memory_space<semaphore_mem>>)
      %dma_start3A_14 = arith.constant 0 : i32
      %dma_start3A_15 = arith.constant 0 : i32
      %dma_start3A_16 = tpu.memref_slice %arg2[%dma_start3A_14, %dma_start3A_15] : memref<10000x128xf32, #tpu.memory_space<hbm>> -> memref<10000x128xf32, #tpu.memory_space<hbm>>
      tpu.enqueue_indirect_dma source(%dma_start3A_16 : memref<10000x128xf32, #tpu.memory_space<hbm>>) target(%arg9 : memref<80x128xf32, #tpu.memory_space<vmem>>) offsets(%arg7 : memref<80xi32, #tpu.memory_space<vmem>>) semaphore(%arg12 : memref<!tpu.dma_semaphore, #tpu.memory_space<semaphore_mem>>)
      %dma_wait3A = arith.constant 0 : i32
      %dma_wait3A_17 = arith.constant 0 : i32
      %dma_wait3A_18 = tpu.memref_slice %arg2[%dma_wait3A, %dma_wait3A_17] : memref<10000x128xf32, #tpu.memory_space<hbm>> -> memref<10000x128xf32, #tpu.memory_space<hbm>>
      tpu.wait_indirect_dma semaphore(%arg11 : memref<!tpu.dma_semaphore, #tpu.memory_space<semaphore_mem>>) src(%dma_wait3A_18 : memref<10000x128xf32, #tpu.memory_space<hbm>>) dst(%arg8 : memref<80x128xf32, #tpu.memory_space<vmem>>)
      %dma_wait3A_19 = arith.constant 0 : i32
      %dma_wait3A_20 = arith.constant 0 : i32
      %dma_wait3A_21 = tpu.memref_slice %arg2[%dma_wait3A_19, %dma_wait3A_20] : memref<10000x128xf32, #tpu.memory_space<hbm>> -> memref<10000x128xf32, #tpu.memory_space<hbm>>
      tpu.wait_indirect_dma semaphore(%arg12 : memref<!tpu.dma_semaphore, #tpu.memory_space<semaphore_mem>>) src(%dma_wait3A_21 : memref<10000x128xf32, #tpu.memory_space<hbm>>) dst(%arg9 : memref<80x128xf32, #tpu.memory_space<vmem>>)
      %scan3A_22 = arith.constant 0 : i32
      %scan3A_23 = arith.constant 0 : i32
      %scan3A_24 = arith.constant 5 : i32
      %scan3A_25 = arith.addi %scan3A_23, %scan3A_24 : i32
      %scan3A_26 = arith.constant 1 : i32
      scf.for %scan3A_28 = %scan3A_23 to %scan3A_25 step %scan3A_26  : i32 {
        %broadcast_in_dim3A = arith.constant 0.000000e+00 : f32
        %broadcast_in_dim3A_29 = vector.broadcast %broadcast_in_dim3A : f32 to vector<16xf32>
        %mul3A_30 = arith.constant 16 : i32
        %mul3A_31 = arith.muli %scan3A_28, %mul3A_30 : i32
        %add3A_32 = arith.constant 0 : i32
        %add3A_33 = arith.addi %mul3A_31, %add3A_32 : i32
        %get3A = arith.index_cast %add3A_33 : i32 to index
        %get3A_34 = arith.constant 0 : index
        %get3A_35 = tpu.vector_load %arg8[%get3A, %get3A_34] {strides = array<i32>} : memref<80x128xf32, #tpu.memory_space<vmem>>, vector<16xf32>,
        %get3A_36 = arith.index_cast %add3A_33 : i32 to index
        %get3A_37 = arith.constant 0 : index
        %get3A_38 = tpu.vector_load %arg9[%get3A_36, %get3A_37] {strides = array<i32>} : memref<80x128xf32, #tpu.memory_space<vmem>>, vector<16xf32>,
        %mul3A_39 = arith.mulf %get3A_35, %get3A_38 : vector<16xf32>
        %get3A_40 = arith.index_cast %add3A_33 : i32 to index
        %get3A_41 = arith.constant 16 : index
        %get3A_42 = tpu.vector_load %arg8[%get3A_40, %get3A_41] {strides = array<i32>} : memref<80x128xf32, #tpu.memory_space<vmem>>, vector<16xf32>,
        %get3A_43 = arith.index_cast %add3A_33 : i32 to index
        %get3A_44 = arith.constant 16 : index
        %get3A_45 = tpu.vector_load %arg9[%get3A_43, %get3A_44] {strides = array<i32>} : memref<80x128xf32, #tpu.memory_space<vmem>>, vector<16xf32>,
        %mul3A_46 = arith.mulf %get3A_42, %get3A_45 : vector<16xf32>
        %add3A_47 = arith.addf %mul3A_39, %mul3A_46 : vector<16xf32>
        %get3A_48 = arith.index_cast %add3A_33 : i32 to index
        %get3A_49 = arith.constant 32 : index
        %get3A_50 = tpu.vector_load %arg8[%get3A_48, %get3A_49] {strides = array<i32>} : memref<80x128xf32, #tpu.memory_space<vmem>>, vector<16xf32>,
        %get3A_51 = arith.index_cast %add3A_33 : i32 to index
        %get3A_52 = arith.constant 32 : index
        %get3A_53 = tpu.vector_load %arg9[%get3A_51, %get3A_52] {strides = array<i32>} : memref<80x128xf32, #tpu.memory_space<vmem>>, vector<16xf32>,
        %mul3A_54 = arith.mulf %get3A_50, %get3A_53 : vector<16xf32>
        %add3A_55 = arith.addf %add3A_47, %mul3A_54 : vector<16xf32>
        %get3A_56 = arith.index_cast %add3A_33 : i32 to index
        %get3A_57 = arith.constant 48 : index
        %get3A_58 = tpu.vector_load %arg8[%get3A_56, %get3A_57] {strides = array<i32>} : memref<80x128xf32, #tpu.memory_space<vmem>>, vector<16xf32>,
        %get3A_59 = arith.index_cast %add3A_33 : i32 to index
        %get3A_60 = arith.constant 48 : index
        %get3A_61 = tpu.vector_load %arg9[%get3A_59, %get3A_60] {strides = array<i32>} : memref<80x128xf32, #tpu.memory_space<vmem>>, vector<16xf32>,
        %mul3A_62 = arith.mulf %get3A_58, %get3A_61 : vector<16xf32>
        %add3A_63 = arith.addf %add3A_55, %mul3A_62 : vector<16xf32>
        %get3A_64 = arith.index_cast %add3A_33 : i32 to index
        %get3A_65 = arith.constant 64 : index
        %get3A_66 = tpu.vector_load %arg8[%get3A_64, %get3A_65] {strides = array<i32>} : memref<80x128xf32, #tpu.memory_space<vmem>>, vector<16xf32>,
        %get3A_67 = arith.index_cast %add3A_33 : i32 to index
        %get3A_68 = arith.constant 64 : index
        %get3A_69 = tpu.vector_load %arg9[%get3A_67, %get3A_68] {strides = array<i32>} : memref<80x128xf32, #tpu.memory_space<vmem>>, vector<16xf32>,
        %mul3A_70 = arith.mulf %get3A_66, %get3A_69 : vector<16xf32>
        %add3A_71 = arith.addf %add3A_63, %mul3A_70 : vector<16xf32>
        %get3A_72 = arith.index_cast %add3A_33 : i32 to index
        %get3A_73 = arith.constant 80 : index
        %get3A_74 = tpu.vector_load %arg8[%get3A_72, %get3A_73] {strides = array<i32>} : memref<80x128xf32, #tpu.memory_space<vmem>>, vector<16xf32>,
        %get3A_75 = arith.index_cast %add3A_33 : i32 to index
        %get3A_76 = arith.constant 80 : index
        %get3A_77 = tpu.vector_load %arg9[%get3A_75, %get3A_76] {strides = array<i32>} : memref<80x128xf32, #tpu.memory_space<vmem>>, vector<16xf32>,
        %mul3A_78 = arith.mulf %get3A_74, %get3A_77 : vector<16xf32>
        %add3A_79 = arith.addf %add3A_71, %mul3A_78 : vector<16xf32>
        %get3A_80 = arith.index_cast %add3A_33 : i32 to index
        %get3A_81 = arith.constant 96 : index
        %get3A_82 = tpu.vector_load %arg8[%get3A_80, %get3A_81] {strides = array<i32>} : memref<80x128xf32, #tpu.memory_space<vmem>>, vector<16xf32>,
        %get3A_83 = arith.index_cast %add3A_33 : i32 to index
        %get3A_84 = arith.constant 96 : index
        %get3A_85 = tpu.vector_load %arg9[%get3A_83, %get3A_84] {strides = array<i32>} : memref<80x128xf32, #tpu.memory_space<vmem>>, vector<16xf32>,
        %mul3A_86 = arith.mulf %get3A_82, %get3A_85 : vector<16xf32>
        %add3A_87 = arith.addf %add3A_79, %mul3A_86 : vector<16xf32>
        %get3A_88 = arith.index_cast %add3A_33 : i32 to index
        %get3A_89 = arith.constant 112 : index
        %get3A_90 = tpu.vector_load %arg8[%get3A_88, %get3A_89] {strides = array<i32>} : memref<80x128xf32, #tpu.memory_space<vmem>>, vector<16xf32>,
        %get3A_91 = arith.index_cast %add3A_33 : i32 to index
        %get3A_92 = arith.constant 112 : index
        %get3A_93 = tpu.vector_load %arg9[%get3A_91, %get3A_92] {strides = array<i32>} : memref<80x128xf32, #tpu.memory_space<vmem>>, vector<16xf32>,
        %mul3A_94 = arith.mulf %get3A_90, %get3A_93 : vector<16xf32>
        %add3A_95 = arith.addf %add3A_87, %mul3A_94 : vector<16xf32>
        %eq3A = arith.constant 0 : i32
        %eq3A_96 = vector.broadcast %eq3A : i32 to vector<16xi32>
        %eq3A_97 = arith.cmpi eq, %iota3A, %eq3A_96 : vector<16xi32>
        %reduce_sum3A = arith.constant true
        %reduce_sum3A_98 = vector.broadcast %reduce_sum3A : i1 to vector<16xi1>
        %reduce_sum3A_99 = tpu.scan <sum>, %add3A_95 masked %reduce_sum3A_98 : vector<16xf32>, vector<16xi1> -> vector<16xf32>
        %reduce_sum3A_100 = vector.extract %reduce_sum3A_99[15] : f32 from vector<16xf32>
        %broadcast_in_dim3A_101 = vector.broadcast %reduce_sum3A_100 : f32 to vector<16xf32>
        %select_n3A = arith.select %eq3A_97, %broadcast_in_dim3A_101, %broadcast_in_dim3A_29 : vector<16xi1>, vector<16xf32>
        %mul3A_102 = arith.constant 16 : i32
        %mul3A_103 = arith.muli %scan3A_28, %mul3A_102 : i32
        %add3A_104 = arith.constant 1 : i32
        %add3A_105 = arith.addi %mul3A_103, %add3A_104 : i32
        %get3A_106 = arith.index_cast %add3A_105 : i32 to index
        %get3A_107 = arith.constant 0 : index
        %get3A_108 = tpu.vector_load %arg8[%get3A_106, %get3A_107] {strides = array<i32>} : memref<80x128xf32, #tpu.memory_space<vmem>>, vector<16xf32>,
        %get3A_109 = arith.index_cast %add3A_105 : i32 to index
        %get3A_110 = arith.constant 0 : index
        %get3A_111 = tpu.vector_load %arg9[%get3A_109, %get3A_110] {strides = array<i32>} : memref<80x128xf32, #tpu.memory_space<vmem>>, vector<16xf32>,
        %mul3A_112 = arith.mulf %get3A_108, %get3A_111 : vector<16xf32>
        %get3A_113 = arith.index_cast %add3A_105 : i32 to index
        %get3A_114 = arith.constant 16 : index
        %get3A_115 = tpu.vector_load %arg8[%get3A_113, %get3A_114] {strides = array<i32>} : memref<80x128xf32, #tpu.memory_space<vmem>>, vector<16xf32>,
        %get3A_116 = arith.index_cast %add3A_105 : i32 to index
        %get3A_117 = arith.constant 16 : index
        %get3A_118 = tpu.vector_load %arg9[%get3A_116, %get3A_117] {strides = array<i32>} : memref<80x128xf32, #tpu.memory_space<vmem>>, vector<16xf32>,
        %mul3A_119 = arith.mulf %get3A_115, %get3A_118 : vector<16xf32>
        %add3A_120 = arith.addf %mul3A_112, %mul3A_119 : vector<16xf32>
        %get3A_121 = arith.index_cast %add3A_105 : i32 to index
        %get3A_122 = arith.constant 32 : index
        %get3A_123 = tpu.vector_load %arg8[%get3A_121, %get3A_122] {strides = array<i32>} : memref<80x128xf32, #tpu.memory_space<vmem>>, vector<16xf32>,
        %get3A_124 = arith.index_cast %add3A_105 : i32 to index
        %get3A_125 = arith.constant 32 : index
        %get3A_126 = tpu.vector_load %arg9[%get3A_124, %get3A_125] {strides = array<i32>} : memref<80x128xf32, #tpu.memory_space<vmem>>, vector<16xf32>,
        %mul3A_127 = arith.mulf %get3A_123, %get3A_126 : vector<16xf32>
        %add3A_128 = arith.addf %add3A_120, %mul3A_127 : vector<16xf32>
        %get3A_129 = arith.index_cast %add3A_105 : i32 to index
        %get3A_130 = arith.constant 48 : index
        %get3A_131 = tpu.vector_load %arg8[%get3A_129, %get3A_130] {strides = array<i32>} : memref<80x128xf32, #tpu.memory_space<vmem>>, vector<16xf32>,
        %get3A_132 = arith.index_cast %add3A_105 : i32 to index
        %get3A_133 = arith.constant 48 : index
        %get3A_134 = tpu.vector_load %arg9[%get3A_132, %get3A_133] {strides = array<i32>} : memref<80x128xf32, #tpu.memory_space<vmem>>, vector<16xf32>,
        %mul3A_135 = arith.mulf %get3A_131, %get3A_134 : vector<16xf32>
        %add3A_136 = arith.addf %add3A_128, %mul3A_135 : vector<16xf32>
        %get3A_137 = arith.index_cast %add3A_105 : i32 to index
        %get3A_138 = arith.constant 64 : index
        %get3A_139 = tpu.vector_load %arg8[%get3A_137, %get3A_138] {strides = array<i32>} : memref<80x128xf32, #tpu.memory_space<vmem>>, vector<16xf32>,
        %get3A_140 = arith.index_cast %add3A_105 : i32 to index
        %get3A_141 = arith.constant 64 : index
        %get3A_142 = tpu.vector_load %arg9[%get3A_140, %get3A_141] {strides = array<i32>} : memref<80x128xf32, #tpu.memory_space<vmem>>, vector<16xf32>,
        %mul3A_143 = arith.mulf %get3A_139, %get3A_142 : vector<16xf32>
        %add3A_144 = arith.addf %add3A_136, %mul3A_143 : vector<16xf32>
        %get3A_145 = arith.index_cast %add3A_105 : i32 to index
        %get3A_146 = arith.constant 80 : index
        %get3A_147 = tpu.vector_load %arg8[%get3A_145, %get3A_146] {strides = array<i32>} : memref<80x128xf32, #tpu.memory_space<vmem>>, vector<16xf32>,
        %get3A_148 = arith.index_cast %add3A_105 : i32 to index
        %get3A_149 = arith.constant 80 : index
        %get3A_150 = tpu.vector_load %arg9[%get3A_148, %get3A_149] {strides = array<i32>} : memref<80x128xf32, #tpu.memory_space<vmem>>, vector<16xf32>,
        %mul3A_151 = arith.mulf %get3A_147, %get3A_150 : vector<16xf32>
        %add3A_152 = arith.addf %add3A_144, %mul3A_151 : vector<16xf32>
        %get3A_153 = arith.index_cast %add3A_105 : i32 to index
        %get3A_154 = arith.constant 96 : index
        %get3A_155 = tpu.vector_load %arg8[%get3A_153, %get3A_154] {strides = array<i32>} : memref<80x128xf32, #tpu.memory_space<vmem>>, vector<16xf32>,
        %get3A_156 = arith.index_cast %add3A_105 : i32 to index
        %get3A_157 = arith.constant 96 : index
        %get3A_158 = tpu.vector_load %arg9[%get3A_156, %get3A_157] {strides = array<i32>} : memref<80x128xf32, #tpu.memory_space<vmem>>, vector<16xf32>,
        %mul3A_159 = arith.mulf %get3A_155, %get3A_158 : vector<16xf32>
        %add3A_160 = arith.addf %add3A_152, %mul3A_159 : vector<16xf32>
        %get3A_161 = arith.index_cast %add3A_105 : i32 to index
        %get3A_162 = arith.constant 112 : index
        %get3A_163 = tpu.vector_load %arg8[%get3A_161, %get3A_162] {strides = array<i32>} : memref<80x128xf32, #tpu.memory_space<vmem>>, vector<16xf32>,
        %get3A_164 = arith.index_cast %add3A_105 : i32 to index
        %get3A_165 = arith.constant 112 : index
        %get3A_166 = tpu.vector_load %arg9[%get3A_164, %get3A_165] {strides = array<i32>} : memref<80x128xf32, #tpu.memory_space<vmem>>, vector<16xf32>,
        %mul3A_167 = arith.mulf %get3A_163, %get3A_166 : vector<16xf32>
        %add3A_168 = arith.addf %add3A_160, %mul3A_167 : vector<16xf32>
        %eq3A_169 = arith.constant 1 : i32
        %eq3A_170 = vector.broadcast %eq3A_169 : i32 to vector<16xi32>
        %eq3A_171 = arith.cmpi eq, %iota3A, %eq3A_170 : vector<16xi32>
        %reduce_sum3A_172 = arith.constant true
        %reduce_sum3A_173 = vector.broadcast %reduce_sum3A_172 : i1 to vector<16xi1>
        %reduce_sum3A_174 = tpu.scan <sum>, %add3A_168 masked %reduce_sum3A_173 : vector<16xf32>, vector<16xi1> -> vector<16xf32>
        %reduce_sum3A_175 = vector.extract %reduce_sum3A_174[15] : f32 from vector<16xf32>
        %broadcast_in_dim3A_176 = vector.broadcast %reduce_sum3A_175 : f32 to vector<16xf32>
        %select_n3A_177 = arith.select %eq3A_171, %broadcast_in_dim3A_176, %select_n3A : vector<16xi1>, vector<16xf32>
        %mul3A_178 = arith.constant 16 : i32
        %mul3A_179 = arith.muli %scan3A_28, %mul3A_178 : i32
        %add3A_180 = arith.constant 2 : i32
        %add3A_181 = arith.addi %mul3A_179, %add3A_180 : i32
        %get3A_182 = arith.index_cast %add3A_181 : i32 to index
        %get3A_183 = arith.constant 0 : index
        %get3A_184 = tpu.vector_load %arg8[%get3A_182, %get3A_183] {strides = array<i32>} : memref<80x128xf32, #tpu.memory_space<vmem>>, vector<16xf32>,
        %get3A_185 = arith.index_cast %add3A_181 : i32 to index
        %get3A_186 = arith.constant 0 : index
        %get3A_187 = tpu.vector_load %arg9[%get3A_185, %get3A_186] {strides = array<i32>} : memref<80x128xf32, #tpu.memory_space<vmem>>, vector<16xf32>,
        %mul3A_188 = arith.mulf %get3A_184, %get3A_187 : vector<16xf32>
        %get3A_189 = arith.index_cast %add3A_181 : i32 to index
        %get3A_190 = arith.constant 16 : index
        %get3A_191 = tpu.vector_load %arg8[%get3A_189, %get3A_190] {strides = array<i32>} : memref<80x128xf32, #tpu.memory_space<vmem>>, vector<16xf32>,
        %get3A_192 = arith.index_cast %add3A_181 : i32 to index
        %get3A_193 = arith.constant 16 : index
        %get3A_194 = tpu.vector_load %arg9[%get3A_192, %get3A_193] {strides = array<i32>} : memref<80x128xf32, #tpu.memory_space<vmem>>, vector<16xf32>,
        %mul3A_195 = arith.mulf %get3A_191, %get3A_194 : vector<16xf32>
        %add3A_196 = arith.addf %mul3A_188, %mul3A_195 : vector<16xf32>
        %get3A_197 = arith.index_cast %add3A_181 : i32 to index
        %get3A_198 = arith.constant 32 : index
        %get3A_199 = tpu.vector_load %arg8[%get3A_197, %get3A_198] {strides = array<i32>} : memref<80x128xf32, #tpu.memory_space<vmem>>, vector<16xf32>,
        %get3A_200 = arith.index_cast %add3A_181 : i32 to index
        %get3A_201 = arith.constant 32 : index
        %get3A_202 = tpu.vector_load %arg9[%get3A_200, %get3A_201] {strides = array<i32>} : memref<80x128xf32, #tpu.memory_space<vmem>>, vector<16xf32>,
        %mul3A_203 = arith.mulf %get3A_199, %get3A_202 : vector<16xf32>
        %add3A_204 = arith.addf %add3A_196, %mul3A_203 : vector<16xf32>
        %get3A_205 = arith.index_cast %add3A_181 : i32 to index
        %get3A_206 = arith.constant 48 : index
        %get3A_207 = tpu.vector_load %arg8[%get3A_205, %get3A_206] {strides = array<i32>} : memref<80x128xf32, #tpu.memory_space<vmem>>, vector<16xf32>,
        %get3A_208 = arith.index_cast %add3A_181 : i32 to index
        %get3A_209 = arith.constant 48 : index
        %get3A_210 = tpu.vector_load %arg9[%get3A_208, %get3A_209] {strides = array<i32>} : memref<80x128xf32, #tpu.memory_space<vmem>>, vector<16xf32>,
        %mul3A_211 = arith.mulf %get3A_207, %get3A_210 : vector<16xf32>
        %add3A_212 = arith.addf %add3A_204, %mul3A_211 : vector<16xf32>
        %get3A_213 = arith.index_cast %add3A_181 : i32 to index
        %get3A_214 = arith.constant 64 : index
        %get3A_215 = tpu.vector_load %arg8[%get3A_213, %get3A_214] {strides = array<i32>} : memref<80x128xf32, #tpu.memory_space<vmem>>, vector<16xf32>,
        %get3A_216 = arith.index_cast %add3A_181 : i32 to index
        %get3A_217 = arith.constant 64 : index
        %get3A_218 = tpu.vector_load %arg9[%get3A_216, %get3A_217] {strides = array<i32>} : memref<80x128xf32, #tpu.memory_space<vmem>>, vector<16xf32>,
        %mul3A_219 = arith.mulf %get3A_215, %get3A_218 : vector<16xf32>
        %add3A_220 = arith.addf %add3A_212, %mul3A_219 : vector<16xf32>
        %get3A_221 = arith.index_cast %add3A_181 : i32 to index
        %get3A_222 = arith.constant 80 : index
        %get3A_223 = tpu.vector_load %arg8[%get3A_221, %get3A_222] {strides = array<i32>} : memref<80x128xf32, #tpu.memory_space<vmem>>, vector<16xf32>,
        %get3A_224 = arith.index_cast %add3A_181 : i32 to index
        %get3A_225 = arith.constant 80 : index
        %get3A_226 = tpu.vector_load %arg9[%get3A_224, %get3A_225] {strides = array<i32>} : memref<80x128xf32, #tpu.memory_space<vmem>>, vector<16xf32>,
        %mul3A_227 = arith.mulf %get3A_223, %get3A_226 : vector<16xf32>
        %add3A_228 = arith.addf %add3A_220, %mul3A_227 : vector<16xf32>
        %get3A_229 = arith.index_cast %add3A_181 : i32 to index
        %get3A_230 = arith.constant 96 : index
        %get3A_231 = tpu.vector_load %arg8[%get3A_229, %get3A_230] {strides = array<i32>} : memref<80x128xf32, #tpu.memory_space<vmem>>, vector<16xf32>,
        %get3A_232 = arith.index_cast %add3A_181 : i32 to index
        %get3A_233 = arith.constant 96 : index
        %get3A_234 = tpu.vector_load %arg9[%get3A_232, %get3A_233] {strides = array<i32>} : memref<80x128xf32, #tpu.memory_space<vmem>>, vector<16xf32>,
        %mul3A_235 = arith.mulf %get3A_231, %get3A_234 : vector<16xf32>
        %add3A_236 = arith.addf %add3A_228, %mul3A_235 : vector<16xf32>
        %get3A_237 = arith.index_cast %add3A_181 : i32 to index
        %get3A_238 = arith.constant 112 : index
        %get3A_239 = tpu.vector_load %arg8[%get3A_237, %get3A_238] {strides = array<i32>} : memref<80x128xf32, #tpu.memory_space<vmem>>, vector<16xf32>,
        %get3A_240 = arith.index_cast %add3A_181 : i32 to index
        %get3A_241 = arith.constant 112 : index
        %get3A_242 = tpu.vector_load %arg9[%get3A_240, %get3A_241] {strides = array<i32>} : memref<80x128xf32, #tpu.memory_space<vmem>>, vector<16xf32>,
        %mul3A_243 = arith.mulf %get3A_239, %get3A_242 : vector<16xf32>
        %add3A_244 = arith.addf %add3A_236, %mul3A_243 : vector<16xf32>
        %eq3A_245 = arith.constant 2 : i32
        %eq3A_246 = vector.broadcast %eq3A_245 : i32 to vector<16xi32>
        %eq3A_247 = arith.cmpi eq, %iota3A, %eq3A_246 : vector<16xi32>
        %reduce_sum3A_248 = arith.constant true
        %reduce_sum3A_249 = vector.broadcast %reduce_sum3A_248 : i1 to vector<16xi1>
        %reduce_sum3A_250 = tpu.scan <sum>, %add3A_244 masked %reduce_sum3A_249 : vector<16xf32>, vector<16xi1> -> vector<16xf32>
        %reduce_sum3A_251 = vector.extract %reduce_sum3A_250[15] : f32 from vector<16xf32>
        %broadcast_in_dim3A_252 = vector.broadcast %reduce_sum3A_251 : f32 to vector<16xf32>
        %select_n3A_253 = arith.select %eq3A_247, %broadcast_in_dim3A_252, %select_n3A_177 : vector<16xi1>, vector<16xf32>
        %mul3A_254 = arith.constant 16 : i32
        %mul3A_255 = arith.muli %scan3A_28, %mul3A_254 : i32
        %add3A_256 = arith.constant 3 : i32
        %add3A_257 = arith.addi %mul3A_255, %add3A_256 : i32
        %get3A_258 = arith.index_cast %add3A_257 : i32 to index
        %get3A_259 = arith.constant 0 : index
        %get3A_260 = tpu.vector_load %arg8[%get3A_258, %get3A_259] {strides = array<i32>} : memref<80x128xf32, #tpu.memory_space<vmem>>, vector<16xf32>,
        %get3A_261 = arith.index_cast %add3A_257 : i32 to index
        %get3A_262 = arith.constant 0 : index
        %get3A_263 = tpu.vector_load %arg9[%get3A_261, %get3A_262] {strides = array<i32>} : memref<80x128xf32, #tpu.memory_space<vmem>>, vector<16xf32>,
        %mul3A_264 = arith.mulf %get3A_260, %get3A_263 : vector<16xf32>
        %get3A_265 = arith.index_cast %add3A_257 : i32 to index
        %get3A_266 = arith.constant 16 : index
        %get3A_267 = tpu.vector_load %arg8[%get3A_265, %get3A_266] {strides = array<i32>} : memref<80x128xf32, #tpu.memory_space<vmem>>, vector<16xf32>,
        %get3A_268 = arith.index_cast %add3A_257 : i32 to index
        %get3A_269 = arith.constant 16 : index
        %get3A_270 = tpu.vector_load %arg9[%get3A_268, %get3A_269] {strides = array<i32>} : memref<80x128xf32, #tpu.memory_space<vmem>>, vector<16xf32>,
        %mul3A_271 = arith.mulf %get3A_267, %get3A_270 : vector<16xf32>
        %add3A_272 = arith.addf %mul3A_264, %mul3A_271 : vector<16xf32>
        %get3A_273 = arith.index_cast %add3A_257 : i32 to index
        %get3A_274 = arith.constant 32 : index
        %get3A_275 = tpu.vector_load %arg8[%get3A_273, %get3A_274] {strides = array<i32>} : memref<80x128xf32, #tpu.memory_space<vmem>>, vector<16xf32>,
        %get3A_276 = arith.index_cast %add3A_257 : i32 to index
        %get3A_277 = arith.constant 32 : index
        %get3A_278 = tpu.vector_load %arg9[%get3A_276, %get3A_277] {strides = array<i32>} : memref<80x128xf32, #tpu.memory_space<vmem>>, vector<16xf32>,
        %mul3A_279 = arith.mulf %get3A_275, %get3A_278 : vector<16xf32>
        %add3A_280 = arith.addf %add3A_272, %mul3A_279 : vector<16xf32>
        %get3A_281 = arith.index_cast %add3A_257 : i32 to index
        %get3A_282 = arith.constant 48 : index
        %get3A_283 = tpu.vector_load %arg8[%get3A_281, %get3A_282] {strides = array<i32>} : memref<80x128xf32, #tpu.memory_space<vmem>>, vector<16xf32>,
        %get3A_284 = arith.index_cast %add3A_257 : i32 to index
        %get3A_285 = arith.constant 48 : index
        %get3A_286 = tpu.vector_load %arg9[%get3A_284, %get3A_285] {strides = array<i32>} : memref<80x128xf32, #tpu.memory_space<vmem>>, vector<16xf32>,
        %mul3A_287 = arith.mulf %get3A_283, %get3A_286 : vector<16xf32>
        %add3A_288 = arith.addf %add3A_280, %mul3A_287 : vector<16xf32>
        %get3A_289 = arith.index_cast %add3A_257 : i32 to index
        %get3A_290 = arith.constant 64 : index
        %get3A_291 = tpu.vector_load %arg8[%get3A_289, %get3A_290] {strides = array<i32>} : memref<80x128xf32, #tpu.memory_space<vmem>>, vector<16xf32>,
        %get3A_292 = arith.index_cast %add3A_257 : i32 to index
        %get3A_293 = arith.constant 64 : index
        %get3A_294 = tpu.vector_load %arg9[%get3A_292, %get3A_293] {strides = array<i32>} : memref<80x128xf32, #tpu.memory_space<vmem>>, vector<16xf32>,
        %mul3A_295 = arith.mulf %get3A_291, %get3A_294 : vector<16xf32>
        %add3A_296 = arith.addf %add3A_288, %mul3A_295 : vector<16xf32>
        %get3A_297 = arith.index_cast %add3A_257 : i32 to index
        %get3A_298 = arith.constant 80 : index
        %get3A_299 = tpu.vector_load %arg8[%get3A_297, %get3A_298] {strides = array<i32>} : memref<80x128xf32, #tpu.memory_space<vmem>>, vector<16xf32>,
        %get3A_300 = arith.index_cast %add3A_257 : i32 to index
        %get3A_301 = arith.constant 80 : index
        %get3A_302 = tpu.vector_load %arg9[%get3A_300, %get3A_301] {strides = array<i32>} : memref<80x128xf32, #tpu.memory_space<vmem>>, vector<16xf32>,
        %mul3A_303 = arith.mulf %get3A_299, %get3A_302 : vector<16xf32>
        %add3A_304 = arith.addf %add3A_296, %mul3A_303 : vector<16xf32>
        %get3A_305 = arith.index_cast %add3A_257 : i32 to index
        %get3A_306 = arith.constant 96 : index
        %get3A_307 = tpu.vector_load %arg8[%get3A_305, %get3A_306] {strides = array<i32>} : memref<80x128xf32, #tpu.memory_space<vmem>>, vector<16xf32>,
        %get3A_308 = arith.index_cast %add3A_257 : i32 to index
        %get3A_309 = arith.constant 96 : index
        %get3A_310 = tpu.vector_load %arg9[%get3A_308, %get3A_309] {strides = array<i32>} : memref<80x128xf32, #tpu.memory_space<vmem>>, vector<16xf32>,
        %mul3A_311 = arith.mulf %get3A_307, %get3A_310 : vector<16xf32>
        %add3A_312 = arith.addf %add3A_304, %mul3A_311 : vector<16xf32>
        %get3A_313 = arith.index_cast %add3A_257 : i32 to index
        %get3A_314 = arith.constant 112 : index
        %get3A_315 = tpu.vector_load %arg8[%get3A_313, %get3A_314] {strides = array<i32>} : memref<80x128xf32, #tpu.memory_space<vmem>>, vector<16xf32>,
        %get3A_316 = arith.index_cast %add3A_257 : i32 to index
        %get3A_317 = arith.constant 112 : index
        %get3A_318 = tpu.vector_load %arg9[%get3A_316, %get3A_317] {strides = array<i32>} : memref<80x128xf32, #tpu.memory_space<vmem>>, vector<16xf32>,
        %mul3A_319 = arith.mulf %get3A_315, %get3A_318 : vector<16xf32>
        %add3A_320 = arith.addf %add3A_312, %mul3A_319 : vector<16xf32>
        %eq3A_321 = arith.constant 3 : i32
        %eq3A_322 = vector.broadcast %eq3A_321 : i32 to vector<16xi32>
        %eq3A_323 = arith.cmpi eq, %iota3A, %eq3A_322 : vector<16xi32>
        %reduce_sum3A_324 = arith.constant true
        %reduce_sum3A_325 = vector.broadcast %reduce_sum3A_324 : i1 to vector<16xi1>
        %reduce_sum3A_326 = tpu.scan <sum>, %add3A_320 masked %reduce_sum3A_325 : vector<16xf32>, vector<16xi1> -> vector<16xf32>
        %reduce_sum3A_327 = vector.extract %reduce_sum3A_326[15] : f32 from vector<16xf32>
        %broadcast_in_dim3A_328 = vector.broadcast %reduce_sum3A_327 : f32 to vector<16xf32>
        %select_n3A_329 = arith.select %eq3A_323, %broadcast_in_dim3A_328, %select_n3A_253 : vector<16xi1>, vector<16xf32>
        %mul3A_330 = arith.constant 16 : i32
        %mul3A_331 = arith.muli %scan3A_28, %mul3A_330 : i32
        %add3A_332 = arith.constant 4 : i32
        %add3A_333 = arith.addi %mul3A_331, %add3A_332 : i32
        %get3A_334 = arith.index_cast %add3A_333 : i32 to index
        %get3A_335 = arith.constant 0 : index
        %get3A_336 = tpu.vector_load %arg8[%get3A_334, %get3A_335] {strides = array<i32>} : memref<80x128xf32, #tpu.memory_space<vmem>>, vector<16xf32>,
        %get3A_337 = arith.index_cast %add3A_333 : i32 to index
        %get3A_338 = arith.constant 0 : index
        %get3A_339 = tpu.vector_load %arg9[%get3A_337, %get3A_338] {strides = array<i32>} : memref<80x128xf32, #tpu.memory_space<vmem>>, vector<16xf32>,
        %mul3A_340 = arith.mulf %get3A_336, %get3A_339 : vector<16xf32>
        %get3A_341 = arith.index_cast %add3A_333 : i32 to index
        %get3A_342 = arith.constant 16 : index
        %get3A_343 = tpu.vector_load %arg8[%get3A_341, %get3A_342] {strides = array<i32>} : memref<80x128xf32, #tpu.memory_space<vmem>>, vector<16xf32>,
        %get3A_344 = arith.index_cast %add3A_333 : i32 to index
        %get3A_345 = arith.constant 16 : index
        %get3A_346 = tpu.vector_load %arg9[%get3A_344, %get3A_345] {strides = array<i32>} : memref<80x128xf32, #tpu.memory_space<vmem>>, vector<16xf32>,
        %mul3A_347 = arith.mulf %get3A_343, %get3A_346 : vector<16xf32>
        %add3A_348 = arith.addf %mul3A_340, %mul3A_347 : vector<16xf32>
        %get3A_349 = arith.index_cast %add3A_333 : i32 to index
        %get3A_350 = arith.constant 32 : index
        %get3A_351 = tpu.vector_load %arg8[%get3A_349, %get3A_350] {strides = array<i32>} : memref<80x128xf32, #tpu.memory_space<vmem>>, vector<16xf32>,
        %get3A_352 = arith.index_cast %add3A_333 : i32 to index
        %get3A_353 = arith.constant 32 : index
        %get3A_354 = tpu.vector_load %arg9[%get3A_352, %get3A_353] {strides = array<i32>} : memref<80x128xf32, #tpu.memory_space<vmem>>, vector<16xf32>,
        %mul3A_355 = arith.mulf %get3A_351, %get3A_354 : vector<16xf32>
        %add3A_356 = arith.addf %add3A_348, %mul3A_355 : vector<16xf32>
        %get3A_357 = arith.index_cast %add3A_333 : i32 to index
        %get3A_358 = arith.constant 48 : index
        %get3A_359 = tpu.vector_load %arg8[%get3A_357, %get3A_358] {strides = array<i32>} : memref<80x128xf32, #tpu.memory_space<vmem>>, vector<16xf32>,
        %get3A_360 = arith.index_cast %add3A_333 : i32 to index
        %get3A_361 = arith.constant 48 : index
        %get3A_362 = tpu.vector_load %arg9[%get3A_360, %get3A_361] {strides = array<i32>} : memref<80x128xf32, #tpu.memory_space<vmem>>, vector<16xf32>,
        %mul3A_363 = arith.mulf %get3A_359, %get3A_362 : vector<16xf32>
        %add3A_364 = arith.addf %add3A_356, %mul3A_363 : vector<16xf32>
        %get3A_365 = arith.index_cast %add3A_333 : i32 to index
        %get3A_366 = arith.constant 64 : index
        %get3A_367 = tpu.vector_load %arg8[%get3A_365, %get3A_366] {strides = array<i32>} : memref<80x128xf32, #tpu.memory_space<vmem>>, vector<16xf32>,
        %get3A_368 = arith.index_cast %add3A_333 : i32 to index
        %get3A_369 = arith.constant 64 : index
        %get3A_370 = tpu.vector_load %arg9[%get3A_368, %get3A_369] {strides = array<i32>} : memref<80x128xf32, #tpu.memory_space<vmem>>, vector<16xf32>,
        %mul3A_371 = arith.mulf %get3A_367, %get3A_370 : vector<16xf32>
        %add3A_372 = arith.addf %add3A_364, %mul3A_371 : vector<16xf32>
        %get3A_373 = arith.index_cast %add3A_333 : i32 to index
        %get3A_374 = arith.constant 80 : index
        %get3A_375 = tpu.vector_load %arg8[%get3A_373, %get3A_374] {strides = array<i32>} : memref<80x128xf32, #tpu.memory_space<vmem>>, vector<16xf32>,
        %get3A_376 = arith.index_cast %add3A_333 : i32 to index
        %get3A_377 = arith.constant 80 : index
        %get3A_378 = tpu.vector_load %arg9[%get3A_376, %get3A_377] {strides = array<i32>} : memref<80x128xf32, #tpu.memory_space<vmem>>, vector<16xf32>,
        %mul3A_379 = arith.mulf %get3A_375, %get3A_378 : vector<16xf32>
        %add3A_380 = arith.addf %add3A_372, %mul3A_379 : vector<16xf32>
        %get3A_381 = arith.index_cast %add3A_333 : i32 to index
        %get3A_382 = arith.constant 96 : index
        %get3A_383 = tpu.vector_load %arg8[%get3A_381, %get3A_382] {strides = array<i32>} : memref<80x128xf32, #tpu.memory_space<vmem>>, vector<16xf32>,
        %get3A_384 = arith.index_cast %add3A_333 : i32 to index
        %get3A_385 = arith.constant 96 : index
        %get3A_386 = tpu.vector_load %arg9[%get3A_384, %get3A_385] {strides = array<i32>} : memref<80x128xf32, #tpu.memory_space<vmem>>, vector<16xf32>,
        %mul3A_387 = arith.mulf %get3A_383, %get3A_386 : vector<16xf32>
        %add3A_388 = arith.addf %add3A_380, %mul3A_387 : vector<16xf32>
        %get3A_389 = arith.index_cast %add3A_333 : i32 to index
        %get3A_390 = arith.constant 112 : index
        %get3A_391 = tpu.vector_load %arg8[%get3A_389, %get3A_390] {strides = array<i32>} : memref<80x128xf32, #tpu.memory_space<vmem>>, vector<16xf32>,
        %get3A_392 = arith.index_cast %add3A_333 : i32 to index
        %get3A_393 = arith.constant 112 : index
        %get3A_394 = tpu.vector_load %arg9[%get3A_392, %get3A_393] {strides = array<i32>} : memref<80x128xf32, #tpu.memory_space<vmem>>, vector<16xf32>,
        %mul3A_395 = arith.mulf %get3A_391, %get3A_394 : vector<16xf32>
        %add3A_396 = arith.addf %add3A_388, %mul3A_395 : vector<16xf32>
        %eq3A_397 = arith.constant 4 : i32
        %eq3A_398 = vector.broadcast %eq3A_397 : i32 to vector<16xi32>
        %eq3A_399 = arith.cmpi eq, %iota3A, %eq3A_398 : vector<16xi32>
        %reduce_sum3A_400 = arith.constant true
        %reduce_sum3A_401 = vector.broadcast %reduce_sum3A_400 : i1 to vector<16xi1>
        %reduce_sum3A_402 = tpu.scan <sum>, %add3A_396 masked %reduce_sum3A_401 : vector<16xf32>, vector<16xi1> -> vector<16xf32>
        %reduce_sum3A_403 = vector.extract %reduce_sum3A_402[15] : f32 from vector<16xf32>
        %broadcast_in_dim3A_404 = vector.broadcast %reduce_sum3A_403 : f32 to vector<16xf32>
        %select_n3A_405 = arith.select %eq3A_399, %broadcast_in_dim3A_404, %select_n3A_329 : vector<16xi1>, vector<16xf32>
        %mul3A_406 = arith.constant 16 : i32
        %mul3A_407 = arith.muli %scan3A_28, %mul3A_406 : i32
        %add3A_408 = arith.constant 5 : i32
        %add3A_409 = arith.addi %mul3A_407, %add3A_408 : i32
        %get3A_410 = arith.index_cast %add3A_409 : i32 to index
        %get3A_411 = arith.constant 0 : index
        %get3A_412 = tpu.vector_load %arg8[%get3A_410, %get3A_411] {strides = array<i32>} : memref<80x128xf32, #tpu.memory_space<vmem>>, vector<16xf32>,
        %get3A_413 = arith.index_cast %add3A_409 : i32 to index
        %get3A_414 = arith.constant 0 : index
        %get3A_415 = tpu.vector_load %arg9[%get3A_413, %get3A_414] {strides = array<i32>} : memref<80x128xf32, #tpu.memory_space<vmem>>, vector<16xf32>,
        %mul3A_416 = arith.mulf %get3A_412, %get3A_415 : vector<16xf32>
        %get3A_417 = arith.index_cast %add3A_409 : i32 to index
        %get3A_418 = arith.constant 16 : index
        %get3A_419 = tpu.vector_load %arg8[%get3A_417, %get3A_418] {strides = array<i32>} : memref<80x128xf32, #tpu.memory_space<vmem>>, vector<16xf32>,
        %get3A_420 = arith.index_cast %add3A_409 : i32 to index
        %get3A_421 = arith.constant 16 : index
        %get3A_422 = tpu.vector_load %arg9[%get3A_420, %get3A_421] {strides = array<i32>} : memref<80x128xf32, #tpu.memory_space<vmem>>, vector<16xf32>,
        %mul3A_423 = arith.mulf %get3A_419, %get3A_422 : vector<16xf32>
        %add3A_424 = arith.addf %mul3A_416, %mul3A_423 : vector<16xf32>
        %get3A_425 = arith.index_cast %add3A_409 : i32 to index
        %get3A_426 = arith.constant 32 : index
        %get3A_427 = tpu.vector_load %arg8[%get3A_425, %get3A_426] {strides = array<i32>} : memref<80x128xf32, #tpu.memory_space<vmem>>, vector<16xf32>,
        %get3A_428 = arith.index_cast %add3A_409 : i32 to index
        %get3A_429 = arith.constant 32 : index
        %get3A_430 = tpu.vector_load %arg9[%get3A_428, %get3A_429] {strides = array<i32>} : memref<80x128xf32, #tpu.memory_space<vmem>>, vector<16xf32>,
        %mul3A_431 = arith.mulf %get3A_427, %get3A_430 : vector<16xf32>
        %add3A_432 = arith.addf %add3A_424, %mul3A_431 : vector<16xf32>
        %get3A_433 = arith.index_cast %add3A_409 : i32 to index
        %get3A_434 = arith.constant 48 : index
        %get3A_435 = tpu.vector_load %arg8[%get3A_433, %get3A_434] {strides = array<i32>} : memref<80x128xf32, #tpu.memory_space<vmem>>, vector<16xf32>,
        %get3A_436 = arith.index_cast %add3A_409 : i32 to index
        %get3A_437 = arith.constant 48 : index
        %get3A_438 = tpu.vector_load %arg9[%get3A_436, %get3A_437] {strides = array<i32>} : memref<80x128xf32, #tpu.memory_space<vmem>>, vector<16xf32>,
        %mul3A_439 = arith.mulf %get3A_435, %get3A_438 : vector<16xf32>
        %add3A_440 = arith.addf %add3A_432, %mul3A_439 : vector<16xf32>
        %get3A_441 = arith.index_cast %add3A_409 : i32 to index
        %get3A_442 = arith.constant 64 : index
        %get3A_443 = tpu.vector_load %arg8[%get3A_441, %get3A_442] {strides = array<i32>} : memref<80x128xf32, #tpu.memory_space<vmem>>, vector<16xf32>,
        %get3A_444 = arith.index_cast %add3A_409 : i32 to index
        %get3A_445 = arith.constant 64 : index
        %get3A_446 = tpu.vector_load %arg9[%get3A_444, %get3A_445] {strides = array<i32>} : memref<80x128xf32, #tpu.memory_space<vmem>>, vector<16xf32>,
        %mul3A_447 = arith.mulf %get3A_443, %get3A_446 : vector<16xf32>
        %add3A_448 = arith.addf %add3A_440, %mul3A_447 : vector<16xf32>
        %get3A_449 = arith.index_cast %add3A_409 : i32 to index
        %get3A_450 = arith.constant 80 : index
        %get3A_451 = tpu.vector_load %arg8[%get3A_449, %get3A_450] {strides = array<i32>} : memref<80x128xf32, #tpu.memory_space<vmem>>, vector<16xf32>,
        %get3A_452 = arith.index_cast %add3A_409 : i32 to index
        %get3A_453 = arith.constant 80 : index
        %get3A_454 = tpu.vector_load %arg9[%get3A_452, %get3A_453] {strides = array<i32>} : memref<80x128xf32, #tpu.memory_space<vmem>>, vector<16xf32>,
        %mul3A_455 = arith.mulf %get3A_451, %get3A_454 : vector<16xf32>
        %add3A_456 = arith.addf %add3A_448, %mul3A_455 : vector<16xf32>
        %get3A_457 = arith.index_cast %add3A_409 : i32 to index
        %get3A_458 = arith.constant 96 : index
        %get3A_459 = tpu.vector_load %arg8[%get3A_457, %get3A_458] {strides = array<i32>} : memref<80x128xf32, #tpu.memory_space<vmem>>, vector<16xf32>,
        %get3A_460 = arith.index_cast %add3A_409 : i32 to index
        %get3A_461 = arith.constant 96 : index
        %get3A_462 = tpu.vector_load %arg9[%get3A_460, %get3A_461] {strides = array<i32>} : memref<80x128xf32, #tpu.memory_space<vmem>>, vector<16xf32>,
        %mul3A_463 = arith.mulf %get3A_459, %get3A_462 : vector<16xf32>
        %add3A_464 = arith.addf %add3A_456, %mul3A_463 : vector<16xf32>
        %get3A_465 = arith.index_cast %add3A_409 : i32 to index
        %get3A_466 = arith.constant 112 : index
        %get3A_467 = tpu.vector_load %arg8[%get3A_465, %get3A_466] {strides = array<i32>} : memref<80x128xf32, #tpu.memory_space<vmem>>, vector<16xf32>,
        %get3A_468 = arith.index_cast %add3A_409 : i32 to index
        %get3A_469 = arith.constant 112 : index
        %get3A_470 = tpu.vector_load %arg9[%get3A_468, %get3A_469] {strides = array<i32>} : memref<80x128xf32, #tpu.memory_space<vmem>>, vector<16xf32>,
        %mul3A_471 = arith.mulf %get3A_467, %get3A_470 : vector<16xf32>
        %add3A_472 = arith.addf %add3A_464, %mul3A_471 : vector<16xf32>
        %eq3A_473 = arith.constant 5 : i32
        %eq3A_474 = vector.broadcast %eq3A_473 : i32 to vector<16xi32>
        %eq3A_475 = arith.cmpi eq, %iota3A, %eq3A_474 : vector<16xi32>
        %reduce_sum3A_476 = arith.constant true
        %reduce_sum3A_477 = vector.broadcast %reduce_sum3A_476 : i1 to vector<16xi1>
        %reduce_sum3A_478 = tpu.scan <sum>, %add3A_472 masked %reduce_sum3A_477 : vector<16xf32>, vector<16xi1> -> vector<16xf32>
        %reduce_sum3A_479 = vector.extract %reduce_sum3A_478[15] : f32 from vector<16xf32>
        %broadcast_in_dim3A_480 = vector.broadcast %reduce_sum3A_479 : f32 to vector<16xf32>
        %select_n3A_481 = arith.select %eq3A_475, %broadcast_in_dim3A_480, %select_n3A_405 : vector<16xi1>, vector<16xf32>
        %mul3A_482 = arith.constant 16 : i32
        %mul3A_483 = arith.muli %scan3A_28, %mul3A_482 : i32
        %add3A_484 = arith.constant 6 : i32
        %add3A_485 = arith.addi %mul3A_483, %add3A_484 : i32
        %get3A_486 = arith.index_cast %add3A_485 : i32 to index
        %get3A_487 = arith.constant 0 : index
        %get3A_488 = tpu.vector_load %arg8[%get3A_486, %get3A_487] {strides = array<i32>} : memref<80x128xf32, #tpu.memory_space<vmem>>, vector<16xf32>,
        %get3A_489 = arith.index_cast %add3A_485 : i32 to index
        %get3A_490 = arith.constant 0 : index
        %get3A_491 = tpu.vector_load %arg9[%get3A_489, %get3A_490] {strides = array<i32>} : memref<80x128xf32, #tpu.memory_space<vmem>>, vector<16xf32>,
        %mul3A_492 = arith.mulf %get3A_488, %get3A_491 : vector<16xf32>
        %get3A_493 = arith.index_cast %add3A_485 : i32 to index
        %get3A_494 = arith.constant 16 : index
        %get3A_495 = tpu.vector_load %arg8[%get3A_493, %get3A_494] {strides = array<i32>} : memref<80x128xf32, #tpu.memory_space<vmem>>, vector<16xf32>,
        %get3A_496 = arith.index_cast %add3A_485 : i32 to index
        %get3A_497 = arith.constant 16 : index
        %get3A_498 = tpu.vector_load %arg9[%get3A_496, %get3A_497] {strides = array<i32>} : memref<80x128xf32, #tpu.memory_space<vmem>>, vector<16xf32>,
        %mul3A_499 = arith.mulf %get3A_495, %get3A_498 : vector<16xf32>
        %add3A_500 = arith.addf %mul3A_492, %mul3A_499 : vector<16xf32>
        %get3A_501 = arith.index_cast %add3A_485 : i32 to index
        %get3A_502 = arith.constant 32 : index
        %get3A_503 = tpu.vector_load %arg8[%get3A_501, %get3A_502] {strides = array<i32>} : memref<80x128xf32, #tpu.memory_space<vmem>>, vector<16xf32>,
        %get3A_504 = arith.index_cast %add3A_485 : i32 to index
        %get3A_505 = arith.constant 32 : index
        %get3A_506 = tpu.vector_load %arg9[%get3A_504, %get3A_505] {strides = array<i32>} : memref<80x128xf32, #tpu.memory_space<vmem>>, vector<16xf32>,
        %mul3A_507 = arith.mulf %get3A_503, %get3A_506 : vector<16xf32>
        %add3A_508 = arith.addf %add3A_500, %mul3A_507 : vector<16xf32>
        %get3A_509 = arith.index_cast %add3A_485 : i32 to index
        %get3A_510 = arith.constant 48 : index
        %get3A_511 = tpu.vector_load %arg8[%get3A_509, %get3A_510] {strides = array<i32>} : memref<80x128xf32, #tpu.memory_space<vmem>>, vector<16xf32>,
        %get3A_512 = arith.index_cast %add3A_485 : i32 to index
        %get3A_513 = arith.constant 48 : index
        %get3A_514 = tpu.vector_load %arg9[%get3A_512, %get3A_513] {strides = array<i32>} : memref<80x128xf32, #tpu.memory_space<vmem>>, vector<16xf32>,
        %mul3A_515 = arith.mulf %get3A_511, %get3A_514 : vector<16xf32>
        %add3A_516 = arith.addf %add3A_508, %mul3A_515 : vector<16xf32>
        %get3A_517 = arith.index_cast %add3A_485 : i32 to index
        %get3A_518 = arith.constant 64 : index
        %get3A_519 = tpu.vector_load %arg8[%get3A_517, %get3A_518] {strides = array<i32>} : memref<80x128xf32, #tpu.memory_space<vmem>>, vector<16xf32>,
        %get3A_520 = arith.index_cast %add3A_485 : i32 to index
        %get3A_521 = arith.constant 64 : index
        %get3A_522 = tpu.vector_load %arg9[%get3A_520, %get3A_521] {strides = array<i32>} : memref<80x128xf32, #tpu.memory_space<vmem>>, vector<16xf32>,
        %mul3A_523 = arith.mulf %get3A_519, %get3A_522 : vector<16xf32>
        %add3A_524 = arith.addf %add3A_516, %mul3A_523 : vector<16xf32>
        %get3A_525 = arith.index_cast %add3A_485 : i32 to index
        %get3A_526 = arith.constant 80 : index
        %get3A_527 = tpu.vector_load %arg8[%get3A_525, %get3A_526] {strides = array<i32>} : memref<80x128xf32, #tpu.memory_space<vmem>>, vector<16xf32>,
        %get3A_528 = arith.index_cast %add3A_485 : i32 to index
        %get3A_529 = arith.constant 80 : index
        %get3A_530 = tpu.vector_load %arg9[%get3A_528, %get3A_529] {strides = array<i32>} : memref<80x128xf32, #tpu.memory_space<vmem>>, vector<16xf32>,
        %mul3A_531 = arith.mulf %get3A_527, %get3A_530 : vector<16xf32>
        %add3A_532 = arith.addf %add3A_524, %mul3A_531 : vector<16xf32>
        %get3A_533 = arith.index_cast %add3A_485 : i32 to index
        %get3A_534 = arith.constant 96 : index
        %get3A_535 = tpu.vector_load %arg8[%get3A_533, %get3A_534] {strides = array<i32>} : memref<80x128xf32, #tpu.memory_space<vmem>>, vector<16xf32>,
        %get3A_536 = arith.index_cast %add3A_485 : i32 to index
        %get3A_537 = arith.constant 96 : index
        %get3A_538 = tpu.vector_load %arg9[%get3A_536, %get3A_537] {strides = array<i32>} : memref<80x128xf32, #tpu.memory_space<vmem>>, vector<16xf32>,
        %mul3A_539 = arith.mulf %get3A_535, %get3A_538 : vector<16xf32>
        %add3A_540 = arith.addf %add3A_532, %mul3A_539 : vector<16xf32>
        %get3A_541 = arith.index_cast %add3A_485 : i32 to index
        %get3A_542 = arith.constant 112 : index
        %get3A_543 = tpu.vector_load %arg8[%get3A_541, %get3A_542] {strides = array<i32>} : memref<80x128xf32, #tpu.memory_space<vmem>>, vector<16xf32>,
        %get3A_544 = arith.index_cast %add3A_485 : i32 to index
        %get3A_545 = arith.constant 112 : index
        %get3A_546 = tpu.vector_load %arg9[%get3A_544, %get3A_545] {strides = array<i32>} : memref<80x128xf32, #tpu.memory_space<vmem>>, vector<16xf32>,
        %mul3A_547 = arith.mulf %get3A_543, %get3A_546 : vector<16xf32>
        %add3A_548 = arith.addf %add3A_540, %mul3A_547 : vector<16xf32>
        %eq3A_549 = arith.constant 6 : i32
        %eq3A_550 = vector.broadcast %eq3A_549 : i32 to vector<16xi32>
        %eq3A_551 = arith.cmpi eq, %iota3A, %eq3A_550 : vector<16xi32>
        %reduce_sum3A_552 = arith.constant true
        %reduce_sum3A_553 = vector.broadcast %reduce_sum3A_552 : i1 to vector<16xi1>
        %reduce_sum3A_554 = tpu.scan <sum>, %add3A_548 masked %reduce_sum3A_553 : vector<16xf32>, vector<16xi1> -> vector<16xf32>
        %reduce_sum3A_555 = vector.extract %reduce_sum3A_554[15] : f32 from vector<16xf32>
        %broadcast_in_dim3A_556 = vector.broadcast %reduce_sum3A_555 : f32 to vector<16xf32>
        %select_n3A_557 = arith.select %eq3A_551, %broadcast_in_dim3A_556, %select_n3A_481 : vector<16xi1>, vector<16xf32>
        %mul3A_558 = arith.constant 16 : i32
        %mul3A_559 = arith.muli %scan3A_28, %mul3A_558 : i32
        %add3A_560 = arith.constant 7 : i32
        %add3A_561 = arith.addi %mul3A_559, %add3A_560 : i32
        %get3A_562 = arith.index_cast %add3A_561 : i32 to index
        %get3A_563 = arith.constant 0 : index
        %get3A_564 = tpu.vector_load %arg8[%get3A_562, %get3A_563] {strides = array<i32>} : memref<80x128xf32, #tpu.memory_space<vmem>>, vector<16xf32>,
        %get3A_565 = arith.index_cast %add3A_561 : i32 to index
        %get3A_566 = arith.constant 0 : index
        %get3A_567 = tpu.vector_load %arg9[%get3A_565, %get3A_566] {strides = array<i32>} : memref<80x128xf32, #tpu.memory_space<vmem>>, vector<16xf32>,
        %mul3A_568 = arith.mulf %get3A_564, %get3A_567 : vector<16xf32>
        %get3A_569 = arith.index_cast %add3A_561 : i32 to index
        %get3A_570 = arith.constant 16 : index
        %get3A_571 = tpu.vector_load %arg8[%get3A_569, %get3A_570] {strides = array<i32>} : memref<80x128xf32, #tpu.memory_space<vmem>>, vector<16xf32>,
        %get3A_572 = arith.index_cast %add3A_561 : i32 to index
        %get3A_573 = arith.constant 16 : index
        %get3A_574 = tpu.vector_load %arg9[%get3A_572, %get3A_573] {strides = array<i32>} : memref<80x128xf32, #tpu.memory_space<vmem>>, vector<16xf32>,
        %mul3A_575 = arith.mulf %get3A_571, %get3A_574 : vector<16xf32>
        %add3A_576 = arith.addf %mul3A_568, %mul3A_575 : vector<16xf32>
        %get3A_577 = arith.index_cast %add3A_561 : i32 to index
        %get3A_578 = arith.constant 32 : index
        %get3A_579 = tpu.vector_load %arg8[%get3A_577, %get3A_578] {strides = array<i32>} : memref<80x128xf32, #tpu.memory_space<vmem>>, vector<16xf32>,
        %get3A_580 = arith.index_cast %add3A_561 : i32 to index
        %get3A_581 = arith.constant 32 : index
        %get3A_582 = tpu.vector_load %arg9[%get3A_580, %get3A_581] {strides = array<i32>} : memref<80x128xf32, #tpu.memory_space<vmem>>, vector<16xf32>,
        %mul3A_583 = arith.mulf %get3A_579, %get3A_582 : vector<16xf32>
        %add3A_584 = arith.addf %add3A_576, %mul3A_583 : vector<16xf32>
        %get3A_585 = arith.index_cast %add3A_561 : i32 to index
        %get3A_586 = arith.constant 48 : index
        %get3A_587 = tpu.vector_load %arg8[%get3A_585, %get3A_586] {strides = array<i32>} : memref<80x128xf32, #tpu.memory_space<vmem>>, vector<16xf32>,
        %get3A_588 = arith.index_cast %add3A_561 : i32 to index
        %get3A_589 = arith.constant 48 : index
        %get3A_590 = tpu.vector_load %arg9[%get3A_588, %get3A_589] {strides = array<i32>} : memref<80x128xf32, #tpu.memory_space<vmem>>, vector<16xf32>,
        %mul3A_591 = arith.mulf %get3A_587, %get3A_590 : vector<16xf32>
        %add3A_592 = arith.addf %add3A_584, %mul3A_591 : vector<16xf32>
        %get3A_593 = arith.index_cast %add3A_561 : i32 to index
        %get3A_594 = arith.constant 64 : index
        %get3A_595 = tpu.vector_load %arg8[%get3A_593, %get3A_594] {strides = array<i32>} : memref<80x128xf32, #tpu.memory_space<vmem>>, vector<16xf32>,
        %get3A_596 = arith.index_cast %add3A_561 : i32 to index
        %get3A_597 = arith.constant 64 : index
        %get3A_598 = tpu.vector_load %arg9[%get3A_596, %get3A_597] {strides = array<i32>} : memref<80x128xf32, #tpu.memory_space<vmem>>, vector<16xf32>,
        %mul3A_599 = arith.mulf %get3A_595, %get3A_598 : vector<16xf32>
        %add3A_600 = arith.addf %add3A_592, %mul3A_599 : vector<16xf32>
        %get3A_601 = arith.index_cast %add3A_561 : i32 to index
        %get3A_602 = arith.constant 80 : index
        %get3A_603 = tpu.vector_load %arg8[%get3A_601, %get3A_602] {strides = array<i32>} : memref<80x128xf32, #tpu.memory_space<vmem>>, vector<16xf32>,
        %get3A_604 = arith.index_cast %add3A_561 : i32 to index
        %get3A_605 = arith.constant 80 : index
        %get3A_606 = tpu.vector_load %arg9[%get3A_604, %get3A_605] {strides = array<i32>} : memref<80x128xf32, #tpu.memory_space<vmem>>, vector<16xf32>,
        %mul3A_607 = arith.mulf %get3A_603, %get3A_606 : vector<16xf32>
        %add3A_608 = arith.addf %add3A_600, %mul3A_607 : vector<16xf32>
        %get3A_609 = arith.index_cast %add3A_561 : i32 to index
        %get3A_610 = arith.constant 96 : index
        %get3A_611 = tpu.vector_load %arg8[%get3A_609, %get3A_610] {strides = array<i32>} : memref<80x128xf32, #tpu.memory_space<vmem>>, vector<16xf32>,
        %get3A_612 = arith.index_cast %add3A_561 : i32 to index
        %get3A_613 = arith.constant 96 : index
        %get3A_614 = tpu.vector_load %arg9[%get3A_612, %get3A_613] {strides = array<i32>} : memref<80x128xf32, #tpu.memory_space<vmem>>, vector<16xf32>,
        %mul3A_615 = arith.mulf %get3A_611, %get3A_614 : vector<16xf32>
        %add3A_616 = arith.addf %add3A_608, %mul3A_615 : vector<16xf32>
        %get3A_617 = arith.index_cast %add3A_561 : i32 to index
        %get3A_618 = arith.constant 112 : index
        %get3A_619 = tpu.vector_load %arg8[%get3A_617, %get3A_618] {strides = array<i32>} : memref<80x128xf32, #tpu.memory_space<vmem>>, vector<16xf32>,
        %get3A_620 = arith.index_cast %add3A_561 : i32 to index
        %get3A_621 = arith.constant 112 : index
        %get3A_622 = tpu.vector_load %arg9[%get3A_620, %get3A_621] {strides = array<i32>} : memref<80x128xf32, #tpu.memory_space<vmem>>, vector<16xf32>,
        %mul3A_623 = arith.mulf %get3A_619, %get3A_622 : vector<16xf32>
        %add3A_624 = arith.addf %add3A_616, %mul3A_623 : vector<16xf32>
        %eq3A_625 = arith.constant 7 : i32
        %eq3A_626 = vector.broadcast %eq3A_625 : i32 to vector<16xi32>
        %eq3A_627 = arith.cmpi eq, %iota3A, %eq3A_626 : vector<16xi32>
        %reduce_sum3A_628 = arith.constant true
        %reduce_sum3A_629 = vector.broadcast %reduce_sum3A_628 : i1 to vector<16xi1>
        %reduce_sum3A_630 = tpu.scan <sum>, %add3A_624 masked %reduce_sum3A_629 : vector<16xf32>, vector<16xi1> -> vector<16xf32>
        %reduce_sum3A_631 = vector.extract %reduce_sum3A_630[15] : f32 from vector<16xf32>
        %broadcast_in_dim3A_632 = vector.broadcast %reduce_sum3A_631 : f32 to vector<16xf32>
        %select_n3A_633 = arith.select %eq3A_627, %broadcast_in_dim3A_632, %select_n3A_557 : vector<16xi1>, vector<16xf32>
        %mul3A_634 = arith.constant 16 : i32
        %mul3A_635 = arith.muli %scan3A_28, %mul3A_634 : i32
        %add3A_636 = arith.constant 8 : i32
        %add3A_637 = arith.addi %mul3A_635, %add3A_636 : i32
        %get3A_638 = arith.index_cast %add3A_637 : i32 to index
        %get3A_639 = arith.constant 0 : index
        %get3A_640 = tpu.vector_load %arg8[%get3A_638, %get3A_639] {strides = array<i32>} : memref<80x128xf32, #tpu.memory_space<vmem>>, vector<16xf32>,
        %get3A_641 = arith.index_cast %add3A_637 : i32 to index
        %get3A_642 = arith.constant 0 : index
        %get3A_643 = tpu.vector_load %arg9[%get3A_641, %get3A_642] {strides = array<i32>} : memref<80x128xf32, #tpu.memory_space<vmem>>, vector<16xf32>,
        %mul3A_644 = arith.mulf %get3A_640, %get3A_643 : vector<16xf32>
        %get3A_645 = arith.index_cast %add3A_637 : i32 to index
        %get3A_646 = arith.constant 16 : index
        %get3A_647 = tpu.vector_load %arg8[%get3A_645, %get3A_646] {strides = array<i32>} : memref<80x128xf32, #tpu.memory_space<vmem>>, vector<16xf32>,
        %get3A_648 = arith.index_cast %add3A_637 : i32 to index
        %get3A_649 = arith.constant 16 : index
        %get3A_650 = tpu.vector_load %arg9[%get3A_648, %get3A_649] {strides = array<i32>} : memref<80x128xf32, #tpu.memory_space<vmem>>, vector<16xf32>,
        %mul3A_651 = arith.mulf %get3A_647, %get3A_650 : vector<16xf32>
        %add3A_652 = arith.addf %mul3A_644, %mul3A_651 : vector<16xf32>
        %get3A_653 = arith.index_cast %add3A_637 : i32 to index
        %get3A_654 = arith.constant 32 : index
        %get3A_655 = tpu.vector_load %arg8[%get3A_653, %get3A_654] {strides = array<i32>} : memref<80x128xf32, #tpu.memory_space<vmem>>, vector<16xf32>,
        %get3A_656 = arith.index_cast %add3A_637 : i32 to index
        %get3A_657 = arith.constant 32 : index
        %get3A_658 = tpu.vector_load %arg9[%get3A_656, %get3A_657] {strides = array<i32>} : memref<80x128xf32, #tpu.memory_space<vmem>>, vector<16xf32>,
        %mul3A_659 = arith.mulf %get3A_655, %get3A_658 : vector<16xf32>
        %add3A_660 = arith.addf %add3A_652, %mul3A_659 : vector<16xf32>
        %get3A_661 = arith.index_cast %add3A_637 : i32 to index
        %get3A_662 = arith.constant 48 : index
        %get3A_663 = tpu.vector_load %arg8[%get3A_661, %get3A_662] {strides = array<i32>} : memref<80x128xf32, #tpu.memory_space<vmem>>, vector<16xf32>,
        %get3A_664 = arith.index_cast %add3A_637 : i32 to index
        %get3A_665 = arith.constant 48 : index
        %get3A_666 = tpu.vector_load %arg9[%get3A_664, %get3A_665] {strides = array<i32>} : memref<80x128xf32, #tpu.memory_space<vmem>>, vector<16xf32>,
        %mul3A_667 = arith.mulf %get3A_663, %get3A_666 : vector<16xf32>
        %add3A_668 = arith.addf %add3A_660, %mul3A_667 : vector<16xf32>
        %get3A_669 = arith.index_cast %add3A_637 : i32 to index
        %get3A_670 = arith.constant 64 : index
        %get3A_671 = tpu.vector_load %arg8[%get3A_669, %get3A_670] {strides = array<i32>} : memref<80x128xf32, #tpu.memory_space<vmem>>, vector<16xf32>,
        %get3A_672 = arith.index_cast %add3A_637 : i32 to index
        %get3A_673 = arith.constant 64 : index
        %get3A_674 = tpu.vector_load %arg9[%get3A_672, %get3A_673] {strides = array<i32>} : memref<80x128xf32, #tpu.memory_space<vmem>>, vector<16xf32>,
        %mul3A_675 = arith.mulf %get3A_671, %get3A_674 : vector<16xf32>
        %add3A_676 = arith.addf %add3A_668, %mul3A_675 : vector<16xf32>
        %get3A_677 = arith.index_cast %add3A_637 : i32 to index
        %get3A_678 = arith.constant 80 : index
        %get3A_679 = tpu.vector_load %arg8[%get3A_677, %get3A_678] {strides = array<i32>} : memref<80x128xf32, #tpu.memory_space<vmem>>, vector<16xf32>,
        %get3A_680 = arith.index_cast %add3A_637 : i32 to index
        %get3A_681 = arith.constant 80 : index
        %get3A_682 = tpu.vector_load %arg9[%get3A_680, %get3A_681] {strides = array<i32>} : memref<80x128xf32, #tpu.memory_space<vmem>>, vector<16xf32>,
        %mul3A_683 = arith.mulf %get3A_679, %get3A_682 : vector<16xf32>
        %add3A_684 = arith.addf %add3A_676, %mul3A_683 : vector<16xf32>
        %get3A_685 = arith.index_cast %add3A_637 : i32 to index
        %get3A_686 = arith.constant 96 : index
        %get3A_687 = tpu.vector_load %arg8[%get3A_685, %get3A_686] {strides = array<i32>} : memref<80x128xf32, #tpu.memory_space<vmem>>, vector<16xf32>,
        %get3A_688 = arith.index_cast %add3A_637 : i32 to index
        %get3A_689 = arith.constant 96 : index
        %get3A_690 = tpu.vector_load %arg9[%get3A_688, %get3A_689] {strides = array<i32>} : memref<80x128xf32, #tpu.memory_space<vmem>>, vector<16xf32>,
        %mul3A_691 = arith.mulf %get3A_687, %get3A_690 : vector<16xf32>
        %add3A_692 = arith.addf %add3A_684, %mul3A_691 : vector<16xf32>
        %get3A_693 = arith.index_cast %add3A_637 : i32 to index
        %get3A_694 = arith.constant 112 : index
        %get3A_695 = tpu.vector_load %arg8[%get3A_693, %get3A_694] {strides = array<i32>} : memref<80x128xf32, #tpu.memory_space<vmem>>, vector<16xf32>,
        %get3A_696 = arith.index_cast %add3A_637 : i32 to index
        %get3A_697 = arith.constant 112 : index
        %get3A_698 = tpu.vector_load %arg9[%get3A_696, %get3A_697] {strides = array<i32>} : memref<80x128xf32, #tpu.memory_space<vmem>>, vector<16xf32>,
        %mul3A_699 = arith.mulf %get3A_695, %get3A_698 : vector<16xf32>
        %add3A_700 = arith.addf %add3A_692, %mul3A_699 : vector<16xf32>
        %eq3A_701 = arith.constant 8 : i32
        %eq3A_702 = vector.broadcast %eq3A_701 : i32 to vector<16xi32>
        %eq3A_703 = arith.cmpi eq, %iota3A, %eq3A_702 : vector<16xi32>
        %reduce_sum3A_704 = arith.constant true
        %reduce_sum3A_705 = vector.broadcast %reduce_sum3A_704 : i1 to vector<16xi1>
        %reduce_sum3A_706 = tpu.scan <sum>, %add3A_700 masked %reduce_sum3A_705 : vector<16xf32>, vector<16xi1> -> vector<16xf32>
        %reduce_sum3A_707 = vector.extract %reduce_sum3A_706[15] : f32 from vector<16xf32>
        %broadcast_in_dim3A_708 = vector.broadcast %reduce_sum3A_707 : f32 to vector<16xf32>
        %select_n3A_709 = arith.select %eq3A_703, %broadcast_in_dim3A_708, %select_n3A_633 : vector<16xi1>, vector<16xf32>
        %mul3A_710 = arith.constant 16 : i32
        %mul3A_711 = arith.muli %scan3A_28, %mul3A_710 : i32
        %add3A_712 = arith.constant 9 : i32
        %add3A_713 = arith.addi %mul3A_711, %add3A_712 : i32
        %get3A_714 = arith.index_cast %add3A_713 : i32 to index
        %get3A_715 = arith.constant 0 : index
        %get3A_716 = tpu.vector_load %arg8[%get3A_714, %get3A_715] {strides = array<i32>} : memref<80x128xf32, #tpu.memory_space<vmem>>, vector<16xf32>,
        %get3A_717 = arith.index_cast %add3A_713 : i32 to index
        %get3A_718 = arith.constant 0 : index
        %get3A_719 = tpu.vector_load %arg9[%get3A_717, %get3A_718] {strides = array<i32>} : memref<80x128xf32, #tpu.memory_space<vmem>>, vector<16xf32>,
        %mul3A_720 = arith.mulf %get3A_716, %get3A_719 : vector<16xf32>
        %get3A_721 = arith.index_cast %add3A_713 : i32 to index
        %get3A_722 = arith.constant 16 : index
        %get3A_723 = tpu.vector_load %arg8[%get3A_721, %get3A_722] {strides = array<i32>} : memref<80x128xf32, #tpu.memory_space<vmem>>, vector<16xf32>,
        %get3A_724 = arith.index_cast %add3A_713 : i32 to index
        %get3A_725 = arith.constant 16 : index
        %get3A_726 = tpu.vector_load %arg9[%get3A_724, %get3A_725] {strides = array<i32>} : memref<80x128xf32, #tpu.memory_space<vmem>>, vector<16xf32>,
        %mul3A_727 = arith.mulf %get3A_723, %get3A_726 : vector<16xf32>
        %add3A_728 = arith.addf %mul3A_720, %mul3A_727 : vector<16xf32>
        %get3A_729 = arith.index_cast %add3A_713 : i32 to index
        %get3A_730 = arith.constant 32 : index
        %get3A_731 = tpu.vector_load %arg8[%get3A_729, %get3A_730] {strides = array<i32>} : memref<80x128xf32, #tpu.memory_space<vmem>>, vector<16xf32>,
        %get3A_732 = arith.index_cast %add3A_713 : i32 to index
        %get3A_733 = arith.constant 32 : index
        %get3A_734 = tpu.vector_load %arg9[%get3A_732, %get3A_733] {strides = array<i32>} : memref<80x128xf32, #tpu.memory_space<vmem>>, vector<16xf32>,
        %mul3A_735 = arith.mulf %get3A_731, %get3A_734 : vector<16xf32>
        %add3A_736 = arith.addf %add3A_728, %mul3A_735 : vector<16xf32>
        %get3A_737 = arith.index_cast %add3A_713 : i32 to index
        %get3A_738 = arith.constant 48 : index
        %get3A_739 = tpu.vector_load %arg8[%get3A_737, %get3A_738] {strides = array<i32>} : memref<80x128xf32, #tpu.memory_space<vmem>>, vector<16xf32>,
        %get3A_740 = arith.index_cast %add3A_713 : i32 to index
        %get3A_741 = arith.constant 48 : index
        %get3A_742 = tpu.vector_load %arg9[%get3A_740, %get3A_741] {strides = array<i32>} : memref<80x128xf32, #tpu.memory_space<vmem>>, vector<16xf32>,
        %mul3A_743 = arith.mulf %get3A_739, %get3A_742 : vector<16xf32>
        %add3A_744 = arith.addf %add3A_736, %mul3A_743 : vector<16xf32>
        %get3A_745 = arith.index_cast %add3A_713 : i32 to index
        %get3A_746 = arith.constant 64 : index
        %get3A_747 = tpu.vector_load %arg8[%get3A_745, %get3A_746] {strides = array<i32>} : memref<80x128xf32, #tpu.memory_space<vmem>>, vector<16xf32>,
        %get3A_748 = arith.index_cast %add3A_713 : i32 to index
        %get3A_749 = arith.constant 64 : index
        %get3A_750 = tpu.vector_load %arg9[%get3A_748, %get3A_749] {strides = array<i32>} : memref<80x128xf32, #tpu.memory_space<vmem>>, vector<16xf32>,
        %mul3A_751 = arith.mulf %get3A_747, %get3A_750 : vector<16xf32>
        %add3A_752 = arith.addf %add3A_744, %mul3A_751 : vector<16xf32>
        %get3A_753 = arith.index_cast %add3A_713 : i32 to index
        %get3A_754 = arith.constant 80 : index
        %get3A_755 = tpu.vector_load %arg8[%get3A_753, %get3A_754] {strides = array<i32>} : memref<80x128xf32, #tpu.memory_space<vmem>>, vector<16xf32>,
        %get3A_756 = arith.index_cast %add3A_713 : i32 to index
        %get3A_757 = arith.constant 80 : index
        %get3A_758 = tpu.vector_load %arg9[%get3A_756, %get3A_757] {strides = array<i32>} : memref<80x128xf32, #tpu.memory_space<vmem>>, vector<16xf32>,
        %mul3A_759 = arith.mulf %get3A_755, %get3A_758 : vector<16xf32>
        %add3A_760 = arith.addf %add3A_752, %mul3A_759 : vector<16xf32>
        %get3A_761 = arith.index_cast %add3A_713 : i32 to index
        %get3A_762 = arith.constant 96 : index
        %get3A_763 = tpu.vector_load %arg8[%get3A_761, %get3A_762] {strides = array<i32>} : memref<80x128xf32, #tpu.memory_space<vmem>>, vector<16xf32>,
        %get3A_764 = arith.index_cast %add3A_713 : i32 to index
        %get3A_765 = arith.constant 96 : index
        %get3A_766 = tpu.vector_load %arg9[%get3A_764, %get3A_765] {strides = array<i32>} : memref<80x128xf32, #tpu.memory_space<vmem>>, vector<16xf32>,
        %mul3A_767 = arith.mulf %get3A_763, %get3A_766 : vector<16xf32>
        %add3A_768 = arith.addf %add3A_760, %mul3A_767 : vector<16xf32>
        %get3A_769 = arith.index_cast %add3A_713 : i32 to index
        %get3A_770 = arith.constant 112 : index
        %get3A_771 = tpu.vector_load %arg8[%get3A_769, %get3A_770] {strides = array<i32>} : memref<80x128xf32, #tpu.memory_space<vmem>>, vector<16xf32>,
        %get3A_772 = arith.index_cast %add3A_713 : i32 to index
        %get3A_773 = arith.constant 112 : index
        %get3A_774 = tpu.vector_load %arg9[%get3A_772, %get3A_773] {strides = array<i32>} : memref<80x128xf32, #tpu.memory_space<vmem>>, vector<16xf32>,
        %mul3A_775 = arith.mulf %get3A_771, %get3A_774 : vector<16xf32>
        %add3A_776 = arith.addf %add3A_768, %mul3A_775 : vector<16xf32>
        %eq3A_777 = arith.constant 9 : i32
        %eq3A_778 = vector.broadcast %eq3A_777 : i32 to vector<16xi32>
        %eq3A_779 = arith.cmpi eq, %iota3A, %eq3A_778 : vector<16xi32>
        %reduce_sum3A_780 = arith.constant true
        %reduce_sum3A_781 = vector.broadcast %reduce_sum3A_780 : i1 to vector<16xi1>
        %reduce_sum3A_782 = tpu.scan <sum>, %add3A_776 masked %reduce_sum3A_781 : vector<16xf32>, vector<16xi1> -> vector<16xf32>
        %reduce_sum3A_783 = vector.extract %reduce_sum3A_782[15] : f32 from vector<16xf32>
        %broadcast_in_dim3A_784 = vector.broadcast %reduce_sum3A_783 : f32 to vector<16xf32>
        %select_n3A_785 = arith.select %eq3A_779, %broadcast_in_dim3A_784, %select_n3A_709 : vector<16xi1>, vector<16xf32>
        %mul3A_786 = arith.constant 16 : i32
        %mul3A_787 = arith.muli %scan3A_28, %mul3A_786 : i32
        %add3A_788 = arith.constant 10 : i32
        %add3A_789 = arith.addi %mul3A_787, %add3A_788 : i32
        %get3A_790 = arith.index_cast %add3A_789 : i32 to index
        %get3A_791 = arith.constant 0 : index
        %get3A_792 = tpu.vector_load %arg8[%get3A_790, %get3A_791] {strides = array<i32>} : memref<80x128xf32, #tpu.memory_space<vmem>>, vector<16xf32>,
        %get3A_793 = arith.index_cast %add3A_789 : i32 to index
        %get3A_794 = arith.constant 0 : index
        %get3A_795 = tpu.vector_load %arg9[%get3A_793, %get3A_794] {strides = array<i32>} : memref<80x128xf32, #tpu.memory_space<vmem>>, vector<16xf32>,
        %mul3A_796 = arith.mulf %get3A_792, %get3A_795 : vector<16xf32>
        %get3A_797 = arith.index_cast %add3A_789 : i32 to index
        %get3A_798 = arith.constant 16 : index
        %get3A_799 = tpu.vector_load %arg8[%get3A_797, %get3A_798] {strides = array<i32>} : memref<80x128xf32, #tpu.memory_space<vmem>>, vector<16xf32>,
        %get3A_800 = arith.index_cast %add3A_789 : i32 to index
        %get3A_801 = arith.constant 16 : index
        %get3A_802 = tpu.vector_load %arg9[%get3A_800, %get3A_801] {strides = array<i32>} : memref<80x128xf32, #tpu.memory_space<vmem>>, vector<16xf32>,
        %mul3A_803 = arith.mulf %get3A_799, %get3A_802 : vector<16xf32>
        %add3A_804 = arith.addf %mul3A_796, %mul3A_803 : vector<16xf32>
        %get3A_805 = arith.index_cast %add3A_789 : i32 to index
        %get3A_806 = arith.constant 32 : index
        %get3A_807 = tpu.vector_load %arg8[%get3A_805, %get3A_806] {strides = array<i32>} : memref<80x128xf32, #tpu.memory_space<vmem>>, vector<16xf32>,
        %get3A_808 = arith.index_cast %add3A_789 : i32 to index
        %get3A_809 = arith.constant 32 : index
        %get3A_810 = tpu.vector_load %arg9[%get3A_808, %get3A_809] {strides = array<i32>} : memref<80x128xf32, #tpu.memory_space<vmem>>, vector<16xf32>,
        %mul3A_811 = arith.mulf %get3A_807, %get3A_810 : vector<16xf32>
        %add3A_812 = arith.addf %add3A_804, %mul3A_811 : vector<16xf32>
        %get3A_813 = arith.index_cast %add3A_789 : i32 to index
        %get3A_814 = arith.constant 48 : index
        %get3A_815 = tpu.vector_load %arg8[%get3A_813, %get3A_814] {strides = array<i32>} : memref<80x128xf32, #tpu.memory_space<vmem>>, vector<16xf32>,
        %get3A_816 = arith.index_cast %add3A_789 : i32 to index
        %get3A_817 = arith.constant 48 : index
        %get3A_818 = tpu.vector_load %arg9[%get3A_816, %get3A_817] {strides = array<i32>} : memref<80x128xf32, #tpu.memory_space<vmem>>, vector<16xf32>,
        %mul3A_819 = arith.mulf %get3A_815, %get3A_818 : vector<16xf32>
        %add3A_820 = arith.addf %add3A_812, %mul3A_819 : vector<16xf32>
        %get3A_821 = arith.index_cast %add3A_789 : i32 to index
        %get3A_822 = arith.constant 64 : index
        %get3A_823 = tpu.vector_load %arg8[%get3A_821, %get3A_822] {strides = array<i32>} : memref<80x128xf32, #tpu.memory_space<vmem>>, vector<16xf32>,
        %get3A_824 = arith.index_cast %add3A_789 : i32 to index
        %get3A_825 = arith.constant 64 : index
        %get3A_826 = tpu.vector_load %arg9[%get3A_824, %get3A_825] {strides = array<i32>} : memref<80x128xf32, #tpu.memory_space<vmem>>, vector<16xf32>,
        %mul3A_827 = arith.mulf %get3A_823, %get3A_826 : vector<16xf32>
        %add3A_828 = arith.addf %add3A_820, %mul3A_827 : vector<16xf32>
        %get3A_829 = arith.index_cast %add3A_789 : i32 to index
        %get3A_830 = arith.constant 80 : index
        %get3A_831 = tpu.vector_load %arg8[%get3A_829, %get3A_830] {strides = array<i32>} : memref<80x128xf32, #tpu.memory_space<vmem>>, vector<16xf32>,
        %get3A_832 = arith.index_cast %add3A_789 : i32 to index
        %get3A_833 = arith.constant 80 : index
        %get3A_834 = tpu.vector_load %arg9[%get3A_832, %get3A_833] {strides = array<i32>} : memref<80x128xf32, #tpu.memory_space<vmem>>, vector<16xf32>,
        %mul3A_835 = arith.mulf %get3A_831, %get3A_834 : vector<16xf32>
        %add3A_836 = arith.addf %add3A_828, %mul3A_835 : vector<16xf32>
        %get3A_837 = arith.index_cast %add3A_789 : i32 to index
        %get3A_838 = arith.constant 96 : index
        %get3A_839 = tpu.vector_load %arg8[%get3A_837, %get3A_838] {strides = array<i32>} : memref<80x128xf32, #tpu.memory_space<vmem>>, vector<16xf32>,
        %get3A_840 = arith.index_cast %add3A_789 : i32 to index
        %get3A_841 = arith.constant 96 : index
        %get3A_842 = tpu.vector_load %arg9[%get3A_840, %get3A_841] {strides = array<i32>} : memref<80x128xf32, #tpu.memory_space<vmem>>, vector<16xf32>,
        %mul3A_843 = arith.mulf %get3A_839, %get3A_842 : vector<16xf32>
        %add3A_844 = arith.addf %add3A_836, %mul3A_843 : vector<16xf32>
        %get3A_845 = arith.index_cast %add3A_789 : i32 to index
        %get3A_846 = arith.constant 112 : index
        %get3A_847 = tpu.vector_load %arg8[%get3A_845, %get3A_846] {strides = array<i32>} : memref<80x128xf32, #tpu.memory_space<vmem>>, vector<16xf32>,
        %get3A_848 = arith.index_cast %add3A_789 : i32 to index
        %get3A_849 = arith.constant 112 : index
        %get3A_850 = tpu.vector_load %arg9[%get3A_848, %get3A_849] {strides = array<i32>} : memref<80x128xf32, #tpu.memory_space<vmem>>, vector<16xf32>,
        %mul3A_851 = arith.mulf %get3A_847, %get3A_850 : vector<16xf32>
        %add3A_852 = arith.addf %add3A_844, %mul3A_851 : vector<16xf32>
        %eq3A_853 = arith.constant 10 : i32
        %eq3A_854 = vector.broadcast %eq3A_853 : i32 to vector<16xi32>
        %eq3A_855 = arith.cmpi eq, %iota3A, %eq3A_854 : vector<16xi32>
        %reduce_sum3A_856 = arith.constant true
        %reduce_sum3A_857 = vector.broadcast %reduce_sum3A_856 : i1 to vector<16xi1>
        %reduce_sum3A_858 = tpu.scan <sum>, %add3A_852 masked %reduce_sum3A_857 : vector<16xf32>, vector<16xi1> -> vector<16xf32>
        %reduce_sum3A_859 = vector.extract %reduce_sum3A_858[15] : f32 from vector<16xf32>
        %broadcast_in_dim3A_860 = vector.broadcast %reduce_sum3A_859 : f32 to vector<16xf32>
        %select_n3A_861 = arith.select %eq3A_855, %broadcast_in_dim3A_860, %select_n3A_785 : vector<16xi1>, vector<16xf32>
        %mul3A_862 = arith.constant 16 : i32
        %mul3A_863 = arith.muli %scan3A_28, %mul3A_862 : i32
        %add3A_864 = arith.constant 11 : i32
        %add3A_865 = arith.addi %mul3A_863, %add3A_864 : i32
        %get3A_866 = arith.index_cast %add3A_865 : i32 to index
        %get3A_867 = arith.constant 0 : index
        %get3A_868 = tpu.vector_load %arg8[%get3A_866, %get3A_867] {strides = array<i32>} : memref<80x128xf32, #tpu.memory_space<vmem>>, vector<16xf32>,
        %get3A_869 = arith.index_cast %add3A_865 : i32 to index
        %get3A_870 = arith.constant 0 : index
        %get3A_871 = tpu.vector_load %arg9[%get3A_869, %get3A_870] {strides = array<i32>} : memref<80x128xf32, #tpu.memory_space<vmem>>, vector<16xf32>,
        %mul3A_872 = arith.mulf %get3A_868, %get3A_871 : vector<16xf32>
        %get3A_873 = arith.index_cast %add3A_865 : i32 to index
        %get3A_874 = arith.constant 16 : index
        %get3A_875 = tpu.vector_load %arg8[%get3A_873, %get3A_874] {strides = array<i32>} : memref<80x128xf32, #tpu.memory_space<vmem>>, vector<16xf32>,
        %get3A_876 = arith.index_cast %add3A_865 : i32 to index
        %get3A_877 = arith.constant 16 : index
        %get3A_878 = tpu.vector_load %arg9[%get3A_876, %get3A_877] {strides = array<i32>} : memref<80x128xf32, #tpu.memory_space<vmem>>, vector<16xf32>,
        %mul3A_879 = arith.mulf %get3A_875, %get3A_878 : vector<16xf32>
        %add3A_880 = arith.addf %mul3A_872, %mul3A_879 : vector<16xf32>
        %get3A_881 = arith.index_cast %add3A_865 : i32 to index
        %get3A_882 = arith.constant 32 : index
        %get3A_883 = tpu.vector_load %arg8[%get3A_881, %get3A_882] {strides = array<i32>} : memref<80x128xf32, #tpu.memory_space<vmem>>, vector<16xf32>,
        %get3A_884 = arith.index_cast %add3A_865 : i32 to index
        %get3A_885 = arith.constant 32 : index
        %get3A_886 = tpu.vector_load %arg9[%get3A_884, %get3A_885] {strides = array<i32>} : memref<80x128xf32, #tpu.memory_space<vmem>>, vector<16xf32>,
        %mul3A_887 = arith.mulf %get3A_883, %get3A_886 : vector<16xf32>
        %add3A_888 = arith.addf %add3A_880, %mul3A_887 : vector<16xf32>
        %get3A_889 = arith.index_cast %add3A_865 : i32 to index
        %get3A_890 = arith.constant 48 : index
        %get3A_891 = tpu.vector_load %arg8[%get3A_889, %get3A_890] {strides = array<i32>} : memref<80x128xf32, #tpu.memory_space<vmem>>, vector<16xf32>,
        %get3A_892 = arith.index_cast %add3A_865 : i32 to index
        %get3A_893 = arith.constant 48 : index
        %get3A_894 = tpu.vector_load %arg9[%get3A_892, %get3A_893] {strides = array<i32>} : memref<80x128xf32, #tpu.memory_space<vmem>>, vector<16xf32>,
        %mul3A_895 = arith.mulf %get3A_891, %get3A_894 : vector<16xf32>
        %add3A_896 = arith.addf %add3A_888, %mul3A_895 : vector<16xf32>
        %get3A_897 = arith.index_cast %add3A_865 : i32 to index
        %get3A_898 = arith.constant 64 : index
        %get3A_899 = tpu.vector_load %arg8[%get3A_897, %get3A_898] {strides = array<i32>} : memref<80x128xf32, #tpu.memory_space<vmem>>, vector<16xf32>,
        %get3A_900 = arith.index_cast %add3A_865 : i32 to index
        %get3A_901 = arith.constant 64 : index
        %get3A_902 = tpu.vector_load %arg9[%get3A_900, %get3A_901] {strides = array<i32>} : memref<80x128xf32, #tpu.memory_space<vmem>>, vector<16xf32>,
        %mul3A_903 = arith.mulf %get3A_899, %get3A_902 : vector<16xf32>
        %add3A_904 = arith.addf %add3A_896, %mul3A_903 : vector<16xf32>
        %get3A_905 = arith.index_cast %add3A_865 : i32 to index
        %get3A_906 = arith.constant 80 : index
        %get3A_907 = tpu.vector_load %arg8[%get3A_905, %get3A_906] {strides = array<i32>} : memref<80x128xf32, #tpu.memory_space<vmem>>, vector<16xf32>,
        %get3A_908 = arith.index_cast %add3A_865 : i32 to index
        %get3A_909 = arith.constant 80 : index
        %get3A_910 = tpu.vector_load %arg9[%get3A_908, %get3A_909] {strides = array<i32>} : memref<80x128xf32, #tpu.memory_space<vmem>>, vector<16xf32>,
        %mul3A_911 = arith.mulf %get3A_907, %get3A_910 : vector<16xf32>
        %add3A_912 = arith.addf %add3A_904, %mul3A_911 : vector<16xf32>
        %get3A_913 = arith.index_cast %add3A_865 : i32 to index
        %get3A_914 = arith.constant 96 : index
        %get3A_915 = tpu.vector_load %arg8[%get3A_913, %get3A_914] {strides = array<i32>} : memref<80x128xf32, #tpu.memory_space<vmem>>, vector<16xf32>,
        %get3A_916 = arith.index_cast %add3A_865 : i32 to index
        %get3A_917 = arith.constant 96 : index
        %get3A_918 = tpu.vector_load %arg9[%get3A_916, %get3A_917] {strides = array<i32>} : memref<80x128xf32, #tpu.memory_space<vmem>>, vector<16xf32>,
        %mul3A_919 = arith.mulf %get3A_915, %get3A_918 : vector<16xf32>
        %add3A_920 = arith.addf %add3A_912, %mul3A_919 : vector<16xf32>
        %get3A_921 = arith.index_cast %add3A_865 : i32 to index
        %get3A_922 = arith.constant 112 : index
        %get3A_923 = tpu.vector_load %arg8[%get3A_921, %get3A_922] {strides = array<i32>} : memref<80x128xf32, #tpu.memory_space<vmem>>, vector<16xf32>,
        %get3A_924 = arith.index_cast %add3A_865 : i32 to index
        %get3A_925 = arith.constant 112 : index
        %get3A_926 = tpu.vector_load %arg9[%get3A_924, %get3A_925] {strides = array<i32>} : memref<80x128xf32, #tpu.memory_space<vmem>>, vector<16xf32>,
        %mul3A_927 = arith.mulf %get3A_923, %get3A_926 : vector<16xf32>
        %add3A_928 = arith.addf %add3A_920, %mul3A_927 : vector<16xf32>
        %eq3A_929 = arith.constant 11 : i32
        %eq3A_930 = vector.broadcast %eq3A_929 : i32 to vector<16xi32>
        %eq3A_931 = arith.cmpi eq, %iota3A, %eq3A_930 : vector<16xi32>
        %reduce_sum3A_932 = arith.constant true
        %reduce_sum3A_933 = vector.broadcast %reduce_sum3A_932 : i1 to vector<16xi1>
        %reduce_sum3A_934 = tpu.scan <sum>, %add3A_928 masked %reduce_sum3A_933 : vector<16xf32>, vector<16xi1> -> vector<16xf32>
        %reduce_sum3A_935 = vector.extract %reduce_sum3A_934[15] : f32 from vector<16xf32>
        %broadcast_in_dim3A_936 = vector.broadcast %reduce_sum3A_935 : f32 to vector<16xf32>
        %select_n3A_937 = arith.select %eq3A_931, %broadcast_in_dim3A_936, %select_n3A_861 : vector<16xi1>, vector<16xf32>
        %mul3A_938 = arith.constant 16 : i32
        %mul3A_939 = arith.muli %scan3A_28, %mul3A_938 : i32
        %add3A_940 = arith.constant 12 : i32
        %add3A_941 = arith.addi %mul3A_939, %add3A_940 : i32
        %get3A_942 = arith.index_cast %add3A_941 : i32 to index
        %get3A_943 = arith.constant 0 : index
        %get3A_944 = tpu.vector_load %arg8[%get3A_942, %get3A_943] {strides = array<i32>} : memref<80x128xf32, #tpu.memory_space<vmem>>, vector<16xf32>,
        %get3A_945 = arith.index_cast %add3A_941 : i32 to index
        %get3A_946 = arith.constant 0 : index
        %get3A_947 = tpu.vector_load %arg9[%get3A_945, %get3A_946] {strides = array<i32>} : memref<80x128xf32, #tpu.memory_space<vmem>>, vector<16xf32>,
        %mul3A_948 = arith.mulf %get3A_944, %get3A_947 : vector<16xf32>
        %get3A_949 = arith.index_cast %add3A_941 : i32 to index
        %get3A_950 = arith.constant 16 : index
        %get3A_951 = tpu.vector_load %arg8[%get3A_949, %get3A_950] {strides = array<i32>} : memref<80x128xf32, #tpu.memory_space<vmem>>, vector<16xf32>,
        %get3A_952 = arith.index_cast %add3A_941 : i32 to index
        %get3A_953 = arith.constant 16 : index
        %get3A_954 = tpu.vector_load %arg9[%get3A_952, %get3A_953] {strides = array<i32>} : memref<80x128xf32, #tpu.memory_space<vmem>>, vector<16xf32>,
        %mul3A_955 = arith.mulf %get3A_951, %get3A_954 : vector<16xf32>
        %add3A_956 = arith.addf %mul3A_948, %mul3A_955 : vector<16xf32>
        %get3A_957 = arith.index_cast %add3A_941 : i32 to index
        %get3A_958 = arith.constant 32 : index
        %get3A_959 = tpu.vector_load %arg8[%get3A_957, %get3A_958] {strides = array<i32>} : memref<80x128xf32, #tpu.memory_space<vmem>>, vector<16xf32>,
        %get3A_960 = arith.index_cast %add3A_941 : i32 to index
        %get3A_961 = arith.constant 32 : index
        %get3A_962 = tpu.vector_load %arg9[%get3A_960, %get3A_961] {strides = array<i32>} : memref<80x128xf32, #tpu.memory_space<vmem>>, vector<16xf32>,
        %mul3A_963 = arith.mulf %get3A_959, %get3A_962 : vector<16xf32>
        %add3A_964 = arith.addf %add3A_956, %mul3A_963 : vector<16xf32>
        %get3A_965 = arith.index_cast %add3A_941 : i32 to index
        %get3A_966 = arith.constant 48 : index
        %get3A_967 = tpu.vector_load %arg8[%get3A_965, %get3A_966] {strides = array<i32>} : memref<80x128xf32, #tpu.memory_space<vmem>>, vector<16xf32>,
        %get3A_968 = arith.index_cast %add3A_941 : i32 to index
        %get3A_969 = arith.constant 48 : index
        %get3A_970 = tpu.vector_load %arg9[%get3A_968, %get3A_969] {strides = array<i32>} : memref<80x128xf32, #tpu.memory_space<vmem>>, vector<16xf32>,
        %mul3A_971 = arith.mulf %get3A_967, %get3A_970 : vector<16xf32>
        %add3A_972 = arith.addf %add3A_964, %mul3A_971 : vector<16xf32>
        %get3A_973 = arith.index_cast %add3A_941 : i32 to index
        %get3A_974 = arith.constant 64 : index
        %get3A_975 = tpu.vector_load %arg8[%get3A_973, %get3A_974] {strides = array<i32>} : memref<80x128xf32, #tpu.memory_space<vmem>>, vector<16xf32>,
        %get3A_976 = arith.index_cast %add3A_941 : i32 to index
        %get3A_977 = arith.constant 64 : index
        %get3A_978 = tpu.vector_load %arg9[%get3A_976, %get3A_977] {strides = array<i32>} : memref<80x128xf32, #tpu.memory_space<vmem>>, vector<16xf32>,
        %mul3A_979 = arith.mulf %get3A_975, %get3A_978 : vector<16xf32>
        %add3A_980 = arith.addf %add3A_972, %mul3A_979 : vector<16xf32>
        %get3A_981 = arith.index_cast %add3A_941 : i32 to index
        %get3A_982 = arith.constant 80 : index
        %get3A_983 = tpu.vector_load %arg8[%get3A_981, %get3A_982] {strides = array<i32>} : memref<80x128xf32, #tpu.memory_space<vmem>>, vector<16xf32>,
        %get3A_984 = arith.index_cast %add3A_941 : i32 to index
        %get3A_985 = arith.constant 80 : index
        %get3A_986 = tpu.vector_load %arg9[%get3A_984, %get3A_985] {strides = array<i32>} : memref<80x128xf32, #tpu.memory_space<vmem>>, vector<16xf32>,
        %mul3A_987 = arith.mulf %get3A_983, %get3A_986 : vector<16xf32>
        %add3A_988 = arith.addf %add3A_980, %mul3A_987 : vector<16xf32>
        %get3A_989 = arith.index_cast %add3A_941 : i32 to index
        %get3A_990 = arith.constant 96 : index
        %get3A_991 = tpu.vector_load %arg8[%get3A_989, %get3A_990] {strides = array<i32>} : memref<80x128xf32, #tpu.memory_space<vmem>>, vector<16xf32>,
        %get3A_992 = arith.index_cast %add3A_941 : i32 to index
        %get3A_993 = arith.constant 96 : index
        %get3A_994 = tpu.vector_load %arg9[%get3A_992, %get3A_993] {strides = array<i32>} : memref<80x128xf32, #tpu.memory_space<vmem>>, vector<16xf32>,
        %mul3A_995 = arith.mulf %get3A_991, %get3A_994 : vector<16xf32>
        %add3A_996 = arith.addf %add3A_988, %mul3A_995 : vector<16xf32>
        %get3A_997 = arith.index_cast %add3A_941 : i32 to index
        %get3A_998 = arith.constant 112 : index
        %get3A_999 = tpu.vector_load %arg8[%get3A_997, %get3A_998] {strides = array<i32>} : memref<80x128xf32, #tpu.memory_space<vmem>>, vector<16xf32>,
        %get3A_1000 = arith.index_cast %add3A_941 : i32 to index
        %get3A_1001 = arith.constant 112 : index
        %get3A_1002 = tpu.vector_load %arg9[%get3A_1000, %get3A_1001] {strides = array<i32>} : memref<80x128xf32, #tpu.memory_space<vmem>>, vector<16xf32>,
        %mul3A_1003 = arith.mulf %get3A_999, %get3A_1002 : vector<16xf32>
        %add3A_1004 = arith.addf %add3A_996, %mul3A_1003 : vector<16xf32>
        %eq3A_1005 = arith.constant 12 : i32
        %eq3A_1006 = vector.broadcast %eq3A_1005 : i32 to vector<16xi32>
        %eq3A_1007 = arith.cmpi eq, %iota3A, %eq3A_1006 : vector<16xi32>
        %reduce_sum3A_1008 = arith.constant true
        %reduce_sum3A_1009 = vector.broadcast %reduce_sum3A_1008 : i1 to vector<16xi1>
        %reduce_sum3A_1010 = tpu.scan <sum>, %add3A_1004 masked %reduce_sum3A_1009 : vector<16xf32>, vector<16xi1> -> vector<16xf32>
        %reduce_sum3A_1011 = vector.extract %reduce_sum3A_1010[15] : f32 from vector<16xf32>
        %broadcast_in_dim3A_1012 = vector.broadcast %reduce_sum3A_1011 : f32 to vector<16xf32>
        %select_n3A_1013 = arith.select %eq3A_1007, %broadcast_in_dim3A_1012, %select_n3A_937 : vector<16xi1>, vector<16xf32>
        %mul3A_1014 = arith.constant 16 : i32
        %mul3A_1015 = arith.muli %scan3A_28, %mul3A_1014 : i32
        %add3A_1016 = arith.constant 13 : i32
        %add3A_1017 = arith.addi %mul3A_1015, %add3A_1016 : i32
        %get3A_1018 = arith.index_cast %add3A_1017 : i32 to index
        %get3A_1019 = arith.constant 0 : index
        %get3A_1020 = tpu.vector_load %arg8[%get3A_1018, %get3A_1019] {strides = array<i32>} : memref<80x128xf32, #tpu.memory_space<vmem>>, vector<16xf32>,
        %get3A_1021 = arith.index_cast %add3A_1017 : i32 to index
        %get3A_1022 = arith.constant 0 : index
        %get3A_1023 = tpu.vector_load %arg9[%get3A_1021, %get3A_1022] {strides = array<i32>} : memref<80x128xf32, #tpu.memory_space<vmem>>, vector<16xf32>,
        %mul3A_1024 = arith.mulf %get3A_1020, %get3A_1023 : vector<16xf32>
        %get3A_1025 = arith.index_cast %add3A_1017 : i32 to index
        %get3A_1026 = arith.constant 16 : index
        %get3A_1027 = tpu.vector_load %arg8[%get3A_1025, %get3A_1026] {strides = array<i32>} : memref<80x128xf32, #tpu.memory_space<vmem>>, vector<16xf32>,
        %get3A_1028 = arith.index_cast %add3A_1017 : i32 to index
        %get3A_1029 = arith.constant 16 : index
        %get3A_1030 = tpu.vector_load %arg9[%get3A_1028, %get3A_1029] {strides = array<i32>} : memref<80x128xf32, #tpu.memory_space<vmem>>, vector<16xf32>,
        %mul3A_1031 = arith.mulf %get3A_1027, %get3A_1030 : vector<16xf32>
        %add3A_1032 = arith.addf %mul3A_1024, %mul3A_1031 : vector<16xf32>
        %get3A_1033 = arith.index_cast %add3A_1017 : i32 to index
        %get3A_1034 = arith.constant 32 : index
        %get3A_1035 = tpu.vector_load %arg8[%get3A_1033, %get3A_1034] {strides = array<i32>} : memref<80x128xf32, #tpu.memory_space<vmem>>, vector<16xf32>,
        %get3A_1036 = arith.index_cast %add3A_1017 : i32 to index
        %get3A_1037 = arith.constant 32 : index
        %get3A_1038 = tpu.vector_load %arg9[%get3A_1036, %get3A_1037] {strides = array<i32>} : memref<80x128xf32, #tpu.memory_space<vmem>>, vector<16xf32>,
        %mul3A_1039 = arith.mulf %get3A_1035, %get3A_1038 : vector<16xf32>
        %add3A_1040 = arith.addf %add3A_1032, %mul3A_1039 : vector<16xf32>
        %get3A_1041 = arith.index_cast %add3A_1017 : i32 to index
        %get3A_1042 = arith.constant 48 : index
        %get3A_1043 = tpu.vector_load %arg8[%get3A_1041, %get3A_1042] {strides = array<i32>} : memref<80x128xf32, #tpu.memory_space<vmem>>, vector<16xf32>,
        %get3A_1044 = arith.index_cast %add3A_1017 : i32 to index
        %get3A_1045 = arith.constant 48 : index
        %get3A_1046 = tpu.vector_load %arg9[%get3A_1044, %get3A_1045] {strides = array<i32>} : memref<80x128xf32, #tpu.memory_space<vmem>>, vector<16xf32>,
        %mul3A_1047 = arith.mulf %get3A_1043, %get3A_1046 : vector<16xf32>
        %add3A_1048 = arith.addf %add3A_1040, %mul3A_1047 : vector<16xf32>
        %get3A_1049 = arith.index_cast %add3A_1017 : i32 to index
        %get3A_1050 = arith.constant 64 : index
        %get3A_1051 = tpu.vector_load %arg8[%get3A_1049, %get3A_1050] {strides = array<i32>} : memref<80x128xf32, #tpu.memory_space<vmem>>, vector<16xf32>,
        %get3A_1052 = arith.index_cast %add3A_1017 : i32 to index
        %get3A_1053 = arith.constant 64 : index
        %get3A_1054 = tpu.vector_load %arg9[%get3A_1052, %get3A_1053] {strides = array<i32>} : memref<80x128xf32, #tpu.memory_space<vmem>>, vector<16xf32>,
        %mul3A_1055 = arith.mulf %get3A_1051, %get3A_1054 : vector<16xf32>
        %add3A_1056 = arith.addf %add3A_1048, %mul3A_1055 : vector<16xf32>
        %get3A_1057 = arith.index_cast %add3A_1017 : i32 to index
        %get3A_1058 = arith.constant 80 : index
        %get3A_1059 = tpu.vector_load %arg8[%get3A_1057, %get3A_1058] {strides = array<i32>} : memref<80x128xf32, #tpu.memory_space<vmem>>, vector<16xf32>,
        %get3A_1060 = arith.index_cast %add3A_1017 : i32 to index
        %get3A_1061 = arith.constant 80 : index
        %get3A_1062 = tpu.vector_load %arg9[%get3A_1060, %get3A_1061] {strides = array<i32>} : memref<80x128xf32, #tpu.memory_space<vmem>>, vector<16xf32>,
        %mul3A_1063 = arith.mulf %get3A_1059, %get3A_1062 : vector<16xf32>
        %add3A_1064 = arith.addf %add3A_1056, %mul3A_1063 : vector<16xf32>
        %get3A_1065 = arith.index_cast %add3A_1017 : i32 to index
        %get3A_1066 = arith.constant 96 : index
        %get3A_1067 = tpu.vector_load %arg8[%get3A_1065, %get3A_1066] {strides = array<i32>} : memref<80x128xf32, #tpu.memory_space<vmem>>, vector<16xf32>,
        %get3A_1068 = arith.index_cast %add3A_1017 : i32 to index
        %get3A_1069 = arith.constant 96 : index
        %get3A_1070 = tpu.vector_load %arg9[%get3A_1068, %get3A_1069] {strides = array<i32>} : memref<80x128xf32, #tpu.memory_space<vmem>>, vector<16xf32>,
        %mul3A_1071 = arith.mulf %get3A_1067, %get3A_1070 : vector<16xf32>
        %add3A_1072 = arith.addf %add3A_1064, %mul3A_1071 : vector<16xf32>
        %get3A_1073 = arith.index_cast %add3A_1017 : i32 to index
        %get3A_1074 = arith.constant 112 : index
        %get3A_1075 = tpu.vector_load %arg8[%get3A_1073, %get3A_1074] {strides = array<i32>} : memref<80x128xf32, #tpu.memory_space<vmem>>, vector<16xf32>,
        %get3A_1076 = arith.index_cast %add3A_1017 : i32 to index
        %get3A_1077 = arith.constant 112 : index
        %get3A_1078 = tpu.vector_load %arg9[%get3A_1076, %get3A_1077] {strides = array<i32>} : memref<80x128xf32, #tpu.memory_space<vmem>>, vector<16xf32>,
        %mul3A_1079 = arith.mulf %get3A_1075, %get3A_1078 : vector<16xf32>
        %add3A_1080 = arith.addf %add3A_1072, %mul3A_1079 : vector<16xf32>
        %eq3A_1081 = arith.constant 13 : i32
        %eq3A_1082 = vector.broadcast %eq3A_1081 : i32 to vector<16xi32>
        %eq3A_1083 = arith.cmpi eq, %iota3A, %eq3A_1082 : vector<16xi32>
        %reduce_sum3A_1084 = arith.constant true
        %reduce_sum3A_1085 = vector.broadcast %reduce_sum3A_1084 : i1 to vector<16xi1>
        %reduce_sum3A_1086 = tpu.scan <sum>, %add3A_1080 masked %reduce_sum3A_1085 : vector<16xf32>, vector<16xi1> -> vector<16xf32>
        %reduce_sum3A_1087 = vector.extract %reduce_sum3A_1086[15] : f32 from vector<16xf32>
        %broadcast_in_dim3A_1088 = vector.broadcast %reduce_sum3A_1087 : f32 to vector<16xf32>
        %select_n3A_1089 = arith.select %eq3A_1083, %broadcast_in_dim3A_1088, %select_n3A_1013 : vector<16xi1>, vector<16xf32>
        %mul3A_1090 = arith.constant 16 : i32
        %mul3A_1091 = arith.muli %scan3A_28, %mul3A_1090 : i32
        %add3A_1092 = arith.constant 14 : i32
        %add3A_1093 = arith.addi %mul3A_1091, %add3A_1092 : i32
        %get3A_1094 = arith.index_cast %add3A_1093 : i32 to index
        %get3A_1095 = arith.constant 0 : index
        %get3A_1096 = tpu.vector_load %arg8[%get3A_1094, %get3A_1095] {strides = array<i32>} : memref<80x128xf32, #tpu.memory_space<vmem>>, vector<16xf32>,
        %get3A_1097 = arith.index_cast %add3A_1093 : i32 to index
        %get3A_1098 = arith.constant 0 : index
        %get3A_1099 = tpu.vector_load %arg9[%get3A_1097, %get3A_1098] {strides = array<i32>} : memref<80x128xf32, #tpu.memory_space<vmem>>, vector<16xf32>,
        %mul3A_1100 = arith.mulf %get3A_1096, %get3A_1099 : vector<16xf32>
        %get3A_1101 = arith.index_cast %add3A_1093 : i32 to index
        %get3A_1102 = arith.constant 16 : index
        %get3A_1103 = tpu.vector_load %arg8[%get3A_1101, %get3A_1102] {strides = array<i32>} : memref<80x128xf32, #tpu.memory_space<vmem>>, vector<16xf32>,
        %get3A_1104 = arith.index_cast %add3A_1093 : i32 to index
        %get3A_1105 = arith.constant 16 : index
        %get3A_1106 = tpu.vector_load %arg9[%get3A_1104, %get3A_1105] {strides = array<i32>} : memref<80x128xf32, #tpu.memory_space<vmem>>, vector<16xf32>,
        %mul3A_1107 = arith.mulf %get3A_1103, %get3A_1106 : vector<16xf32>
        %add3A_1108 = arith.addf %mul3A_1100, %mul3A_1107 : vector<16xf32>
        %get3A_1109 = arith.index_cast %add3A_1093 : i32 to index
        %get3A_1110 = arith.constant 32 : index
        %get3A_1111 = tpu.vector_load %arg8[%get3A_1109, %get3A_1110] {strides = array<i32>} : memref<80x128xf32, #tpu.memory_space<vmem>>, vector<16xf32>,
        %get3A_1112 = arith.index_cast %add3A_1093 : i32 to index
        %get3A_1113 = arith.constant 32 : index
        %get3A_1114 = tpu.vector_load %arg9[%get3A_1112, %get3A_1113] {strides = array<i32>} : memref<80x128xf32, #tpu.memory_space<vmem>>, vector<16xf32>,
        %mul3A_1115 = arith.mulf %get3A_1111, %get3A_1114 : vector<16xf32>
        %add3A_1116 = arith.addf %add3A_1108, %mul3A_1115 : vector<16xf32>
        %get3A_1117 = arith.index_cast %add3A_1093 : i32 to index
        %get3A_1118 = arith.constant 48 : index
        %get3A_1119 = tpu.vector_load %arg8[%get3A_1117, %get3A_1118] {strides = array<i32>} : memref<80x128xf32, #tpu.memory_space<vmem>>, vector<16xf32>,
        %get3A_1120 = arith.index_cast %add3A_1093 : i32 to index
        %get3A_1121 = arith.constant 48 : index
        %get3A_1122 = tpu.vector_load %arg9[%get3A_1120, %get3A_1121] {strides = array<i32>} : memref<80x128xf32, #tpu.memory_space<vmem>>, vector<16xf32>,
        %mul3A_1123 = arith.mulf %get3A_1119, %get3A_1122 : vector<16xf32>
        %add3A_1124 = arith.addf %add3A_1116, %mul3A_1123 : vector<16xf32>
        %get3A_1125 = arith.index_cast %add3A_1093 : i32 to index
        %get3A_1126 = arith.constant 64 : index
        %get3A_1127 = tpu.vector_load %arg8[%get3A_1125, %get3A_1126] {strides = array<i32>} : memref<80x128xf32, #tpu.memory_space<vmem>>, vector<16xf32>,
        %get3A_1128 = arith.index_cast %add3A_1093 : i32 to index
        %get3A_1129 = arith.constant 64 : index
        %get3A_1130 = tpu.vector_load %arg9[%get3A_1128, %get3A_1129] {strides = array<i32>} : memref<80x128xf32, #tpu.memory_space<vmem>>, vector<16xf32>,
        %mul3A_1131 = arith.mulf %get3A_1127, %get3A_1130 : vector<16xf32>
        %add3A_1132 = arith.addf %add3A_1124, %mul3A_1131 : vector<16xf32>
        %get3A_1133 = arith.index_cast %add3A_1093 : i32 to index
        %get3A_1134 = arith.constant 80 : index
        %get3A_1135 = tpu.vector_load %arg8[%get3A_1133, %get3A_1134] {strides = array<i32>} : memref<80x128xf32, #tpu.memory_space<vmem>>, vector<16xf32>,
        %get3A_1136 = arith.index_cast %add3A_1093 : i32 to index
        %get3A_1137 = arith.constant 80 : index
        %get3A_1138 = tpu.vector_load %arg9[%get3A_1136, %get3A_1137] {strides = array<i32>} : memref<80x128xf32, #tpu.memory_space<vmem>>, vector<16xf32>,
        %mul3A_1139 = arith.mulf %get3A_1135, %get3A_1138 : vector<16xf32>
        %add3A_1140 = arith.addf %add3A_1132, %mul3A_1139 : vector<16xf32>
        %get3A_1141 = arith.index_cast %add3A_1093 : i32 to index
        %get3A_1142 = arith.constant 96 : index
        %get3A_1143 = tpu.vector_load %arg8[%get3A_1141, %get3A_1142] {strides = array<i32>} : memref<80x128xf32, #tpu.memory_space<vmem>>, vector<16xf32>,
        %get3A_1144 = arith.index_cast %add3A_1093 : i32 to index
        %get3A_1145 = arith.constant 96 : index
        %get3A_1146 = tpu.vector_load %arg9[%get3A_1144, %get3A_1145] {strides = array<i32>} : memref<80x128xf32, #tpu.memory_space<vmem>>, vector<16xf32>,
        %mul3A_1147 = arith.mulf %get3A_1143, %get3A_1146 : vector<16xf32>
        %add3A_1148 = arith.addf %add3A_1140, %mul3A_1147 : vector<16xf32>
        %get3A_1149 = arith.index_cast %add3A_1093 : i32 to index
        %get3A_1150 = arith.constant 112 : index
        %get3A_1151 = tpu.vector_load %arg8[%get3A_1149, %get3A_1150] {strides = array<i32>} : memref<80x128xf32, #tpu.memory_space<vmem>>, vector<16xf32>,
        %get3A_1152 = arith.index_cast %add3A_1093 : i32 to index
        %get3A_1153 = arith.constant 112 : index
        %get3A_1154 = tpu.vector_load %arg9[%get3A_1152, %get3A_1153] {strides = array<i32>} : memref<80x128xf32, #tpu.memory_space<vmem>>, vector<16xf32>,
        %mul3A_1155 = arith.mulf %get3A_1151, %get3A_1154 : vector<16xf32>
        %add3A_1156 = arith.addf %add3A_1148, %mul3A_1155 : vector<16xf32>
        %eq3A_1157 = arith.constant 14 : i32
        %eq3A_1158 = vector.broadcast %eq3A_1157 : i32 to vector<16xi32>
        %eq3A_1159 = arith.cmpi eq, %iota3A, %eq3A_1158 : vector<16xi32>
        %reduce_sum3A_1160 = arith.constant true
        %reduce_sum3A_1161 = vector.broadcast %reduce_sum3A_1160 : i1 to vector<16xi1>
        %reduce_sum3A_1162 = tpu.scan <sum>, %add3A_1156 masked %reduce_sum3A_1161 : vector<16xf32>, vector<16xi1> -> vector<16xf32>
        %reduce_sum3A_1163 = vector.extract %reduce_sum3A_1162[15] : f32 from vector<16xf32>
        %broadcast_in_dim3A_1164 = vector.broadcast %reduce_sum3A_1163 : f32 to vector<16xf32>
        %select_n3A_1165 = arith.select %eq3A_1159, %broadcast_in_dim3A_1164, %select_n3A_1089 : vector<16xi1>, vector<16xf32>
        %mul3A_1166 = arith.constant 16 : i32
        %mul3A_1167 = arith.muli %scan3A_28, %mul3A_1166 : i32
        %add3A_1168 = arith.constant 15 : i32
        %add3A_1169 = arith.addi %mul3A_1167, %add3A_1168 : i32
        %get3A_1170 = arith.index_cast %add3A_1169 : i32 to index
        %get3A_1171 = arith.constant 0 : index
        %get3A_1172 = tpu.vector_load %arg8[%get3A_1170, %get3A_1171] {strides = array<i32>} : memref<80x128xf32, #tpu.memory_space<vmem>>, vector<16xf32>,
        %get3A_1173 = arith.index_cast %add3A_1169 : i32 to index
        %get3A_1174 = arith.constant 0 : index
        %get3A_1175 = tpu.vector_load %arg9[%get3A_1173, %get3A_1174] {strides = array<i32>} : memref<80x128xf32, #tpu.memory_space<vmem>>, vector<16xf32>,
        %mul3A_1176 = arith.mulf %get3A_1172, %get3A_1175 : vector<16xf32>
        %get3A_1177 = arith.index_cast %add3A_1169 : i32 to index
        %get3A_1178 = arith.constant 16 : index
        %get3A_1179 = tpu.vector_load %arg8[%get3A_1177, %get3A_1178] {strides = array<i32>} : memref<80x128xf32, #tpu.memory_space<vmem>>, vector<16xf32>,
        %get3A_1180 = arith.index_cast %add3A_1169 : i32 to index
        %get3A_1181 = arith.constant 16 : index
        %get3A_1182 = tpu.vector_load %arg9[%get3A_1180, %get3A_1181] {strides = array<i32>} : memref<80x128xf32, #tpu.memory_space<vmem>>, vector<16xf32>,
        %mul3A_1183 = arith.mulf %get3A_1179, %get3A_1182 : vector<16xf32>
        %add3A_1184 = arith.addf %mul3A_1176, %mul3A_1183 : vector<16xf32>
        %get3A_1185 = arith.index_cast %add3A_1169 : i32 to index
        %get3A_1186 = arith.constant 32 : index
        %get3A_1187 = tpu.vector_load %arg8[%get3A_1185, %get3A_1186] {strides = array<i32>} : memref<80x128xf32, #tpu.memory_space<vmem>>, vector<16xf32>,
        %get3A_1188 = arith.index_cast %add3A_1169 : i32 to index
        %get3A_1189 = arith.constant 32 : index
        %get3A_1190 = tpu.vector_load %arg9[%get3A_1188, %get3A_1189] {strides = array<i32>} : memref<80x128xf32, #tpu.memory_space<vmem>>, vector<16xf32>,
        %mul3A_1191 = arith.mulf %get3A_1187, %get3A_1190 : vector<16xf32>
        %add3A_1192 = arith.addf %add3A_1184, %mul3A_1191 : vector<16xf32>
        %get3A_1193 = arith.index_cast %add3A_1169 : i32 to index
        %get3A_1194 = arith.constant 48 : index
        %get3A_1195 = tpu.vector_load %arg8[%get3A_1193, %get3A_1194] {strides = array<i32>} : memref<80x128xf32, #tpu.memory_space<vmem>>, vector<16xf32>,
        %get3A_1196 = arith.index_cast %add3A_1169 : i32 to index
        %get3A_1197 = arith.constant 48 : index
        %get3A_1198 = tpu.vector_load %arg9[%get3A_1196, %get3A_1197] {strides = array<i32>} : memref<80x128xf32, #tpu.memory_space<vmem>>, vector<16xf32>,
        %mul3A_1199 = arith.mulf %get3A_1195, %get3A_1198 : vector<16xf32>
        %add3A_1200 = arith.addf %add3A_1192, %mul3A_1199 : vector<16xf32>
        %get3A_1201 = arith.index_cast %add3A_1169 : i32 to index
        %get3A_1202 = arith.constant 64 : index
        %get3A_1203 = tpu.vector_load %arg8[%get3A_1201, %get3A_1202] {strides = array<i32>} : memref<80x128xf32, #tpu.memory_space<vmem>>, vector<16xf32>,
        %get3A_1204 = arith.index_cast %add3A_1169 : i32 to index
        %get3A_1205 = arith.constant 64 : index
        %get3A_1206 = tpu.vector_load %arg9[%get3A_1204, %get3A_1205] {strides = array<i32>} : memref<80x128xf32, #tpu.memory_space<vmem>>, vector<16xf32>,
        %mul3A_1207 = arith.mulf %get3A_1203, %get3A_1206 : vector<16xf32>
        %add3A_1208 = arith.addf %add3A_1200, %mul3A_1207 : vector<16xf32>
        %get3A_1209 = arith.index_cast %add3A_1169 : i32 to index
        %get3A_1210 = arith.constant 80 : index
        %get3A_1211 = tpu.vector_load %arg8[%get3A_1209, %get3A_1210] {strides = array<i32>} : memref<80x128xf32, #tpu.memory_space<vmem>>, vector<16xf32>,
        %get3A_1212 = arith.index_cast %add3A_1169 : i32 to index
        %get3A_1213 = arith.constant 80 : index
        %get3A_1214 = tpu.vector_load %arg9[%get3A_1212, %get3A_1213] {strides = array<i32>} : memref<80x128xf32, #tpu.memory_space<vmem>>, vector<16xf32>,
        %mul3A_1215 = arith.mulf %get3A_1211, %get3A_1214 : vector<16xf32>
        %add3A_1216 = arith.addf %add3A_1208, %mul3A_1215 : vector<16xf32>
        %get3A_1217 = arith.index_cast %add3A_1169 : i32 to index
        %get3A_1218 = arith.constant 96 : index
        %get3A_1219 = tpu.vector_load %arg8[%get3A_1217, %get3A_1218] {strides = array<i32>} : memref<80x128xf32, #tpu.memory_space<vmem>>, vector<16xf32>,
        %get3A_1220 = arith.index_cast %add3A_1169 : i32 to index
        %get3A_1221 = arith.constant 96 : index
        %get3A_1222 = tpu.vector_load %arg9[%get3A_1220, %get3A_1221] {strides = array<i32>} : memref<80x128xf32, #tpu.memory_space<vmem>>, vector<16xf32>,
        %mul3A_1223 = arith.mulf %get3A_1219, %get3A_1222 : vector<16xf32>
        %add3A_1224 = arith.addf %add3A_1216, %mul3A_1223 : vector<16xf32>
        %get3A_1225 = arith.index_cast %add3A_1169 : i32 to index
        %get3A_1226 = arith.constant 112 : index
        %get3A_1227 = tpu.vector_load %arg8[%get3A_1225, %get3A_1226] {strides = array<i32>} : memref<80x128xf32, #tpu.memory_space<vmem>>, vector<16xf32>,
        %get3A_1228 = arith.index_cast %add3A_1169 : i32 to index
        %get3A_1229 = arith.constant 112 : index
        %get3A_1230 = tpu.vector_load %arg9[%get3A_1228, %get3A_1229] {strides = array<i32>} : memref<80x128xf32, #tpu.memory_space<vmem>>, vector<16xf32>,
        %mul3A_1231 = arith.mulf %get3A_1227, %get3A_1230 : vector<16xf32>
        %add3A_1232 = arith.addf %add3A_1224, %mul3A_1231 : vector<16xf32>
        %eq3A_1233 = arith.constant 15 : i32
        %eq3A_1234 = vector.broadcast %eq3A_1233 : i32 to vector<16xi32>
        %eq3A_1235 = arith.cmpi eq, %iota3A, %eq3A_1234 : vector<16xi32>
        %reduce_sum3A_1236 = arith.constant true
        %reduce_sum3A_1237 = vector.broadcast %reduce_sum3A_1236 : i1 to vector<16xi1>
        %reduce_sum3A_1238 = tpu.scan <sum>, %add3A_1232 masked %reduce_sum3A_1237 : vector<16xf32>, vector<16xi1> -> vector<16xf32>
        %reduce_sum3A_1239 = vector.extract %reduce_sum3A_1238[15] : f32 from vector<16xf32>
        %broadcast_in_dim3A_1240 = vector.broadcast %reduce_sum3A_1239 : f32 to vector<16xf32>
        %select_n3A_1241 = arith.select %eq3A_1235, %broadcast_in_dim3A_1240, %select_n3A_1165 : vector<16xi1>, vector<16xf32>
        %neg3A = arith.constant 0.000000e+00 : f32
        %neg3A_1242 = vector.broadcast %neg3A : f32 to vector<16xf32>
        %neg3A_1243 = arith.subf %neg3A_1242, %select_n3A_1241 : vector<16xf32>
        %exp3A = math.exp %neg3A_1243 : vector<16xf32>
        %add3A_1244 = arith.constant 1.000000e+00 : f32
        %add3A_1245 = vector.broadcast %add3A_1244 : f32 to vector<16xf32>
        %add3A_1246 = arith.addf %add3A_1245, %exp3A : vector<16xf32>
        %div3A = arith.constant 1.000000e+00 : f32
        %div3A_1247 = vector.broadcast %div3A : f32 to vector<16xf32>
        %div3A_1248 = arith.divf %div3A_1247, %add3A_1246 : vector<16xf32>
        %mul3A_1249 = arith.constant 16 : i32
        %mul3A_1250 = arith.muli %scan3A_28, %mul3A_1249 : i32
        %swap3A = arith.index_cast %mul3A_1250 : i32 to index
        %swap3A_1251 = tpu.vector_load %arg10[%swap3A] {strides = array<i32>} : memref<80xf32, #tpu.memory_space<vmem>>, vector<16xf32>,
        tpu.vector_store %arg10[%swap3A], %div3A_1248 {strides = array<i32>} : memref<80xf32, #tpu.memory_space<vmem>>, vector<16xf32>,
      }
      %scan3A_27 = arith.constant 5 : i32
      "tpu.region"() ({
        %run_scoped3A = tpu.sem_alloc : memref<!tpu.dma_semaphore, #tpu.memory_space<semaphore_mem>>
        %dma_start3A_28 = tpu.memref_slice %arg5[%add3A_11] : memref<320000xf32, #tpu.memory_space<hbm>> -> memref<80xf32, #tpu.memory_space<hbm>>
        %dma_start3A_29 = tpu.memref_slice %arg5[%add3A_11] : memref<320000xf32, #tpu.memory_space<hbm>> -> memref<80xf32, #tpu.memory_space<hbm>>
        tpu.enqueue_dma source(%arg10 : memref<80xf32, #tpu.memory_space<vmem>>) target(%dma_start3A_29 : memref<80xf32, #tpu.memory_space<hbm>>) target_semaphore(%run_scoped3A : memref<!tpu.dma_semaphore, #tpu.memory_space<semaphore_mem>>)
        %dma_wait3A_30 = tpu.memref_slice %arg5[%add3A_11] : memref<320000xf32, #tpu.memory_space<hbm>> -> memref<80xf32, #tpu.memory_space<hbm>>
        %dma_wait3A_31 = tpu.memref_slice %arg5[%add3A_11] : memref<320000xf32, #tpu.memory_space<hbm>> -> memref<80xf32, #tpu.memory_space<hbm>>
        tpu.wait_dma2 semaphore(%run_scoped3A : memref<!tpu.dma_semaphore, #tpu.memory_space<semaphore_mem>>) src(%arg10 : memref<80xf32, #tpu.memory_space<vmem>>) dst(%dma_wait3A_31 : memref<80xf32, #tpu.memory_space<hbm>>)
        tpu.yield
      }) : () -> ()
    }
    %scan3A_7 = arith.constant 125 : i32
    return
  }
}

</mosaic_0001>

<sc_bundles>
// kernel: kernel.3.cloned.1.call-start
scs
__scs_entry_jumppad:
0x0: {  	(pc) =	sbr.rel $0x88, $3  }
0x1: {  	(tag) =	ssettag $0x0;
	lr =	simm.s32 $0x1  }
0x2: {  	[smem:$0x3F9F] =	sst lr;
	_ =	strace $0xD0000000  }
0x3: {  	_ = 	snop  }
0x4: {  	_ = 	snop  }
0x5: {  	_ = 	snop  }
0x6: {  	_ = 	snop  }
0x7: {  	_ = 	snop  }
__scs_overlays_trampoline_lowered:
0x8: {  	[smem:$0x3FAE] =	sst s0  }
0x9: {  	[smem:$0x3FAF] =	sst s1  }
0xa: {  	[smem:$0x3FB0] =	sst s2  }
0xb: {  	[smem:$0x3FB1] =	sst s3  }
0xc: {  	[smem:$0x3FB2] =	sst s4  }
0xd: {  	[smem:$0x3FB3] =	sst s5  }
0xe: {  	[smem:$0x3FB4] =	sst s6  }
0xf: {  	[smem:$0x3FB5] =	sst s7  }
0x10: {  	[smem:$0x3FB6] =	sst s8  }
0x11: {  	[smem:$0x3FB7] =	sst s9;
	s0 =	simm.s32 @!p0 $0x0  }
0x12: {  	s1 =	sld [smem:$0x3F9D];
	s0 =	simm.s32 @p0 $0x1  }
0x13: {  	[smem:$0x3FB8] =	sst s0;
	s0 =	simm.s32 @!p1 $0x0  }
0x14: {  	s2 =	sld [smem:$0x3F9C];
	s0 =	simm.s32 @p1 $0x1  }
0x15: {  	[smem:$0x3FB9] =	sst s0;
	s0 =	simm.s32 @!p2 $0x0  }
0x16: {  	s3 =	sld [smem:$0x3FDB];
	s0 =	simm.s32 @p2 $0x1  }
0x17: {  	s4 =	simm.s32 $0x1BF5;
	[smem:$0x3FBB] =	sst s0  }
0x18: {  	s0 =	sld [smem:$0x3F9E];
	_ =	swait.ge [sflag:s4], $0x0  }
0x19: {  	s7 =	sld [smem:$0x3F9F]  }
0x1a: {  	s8 =	sadd.s32 $0xFFFFE003, lr  }
0x1b: {  	s9 =	sadd.s32 $0xFFFFFEF7, lr;
	s5 =	simm.s32 $0xFFFFFFFF;
	p2 =	slt.u32 s8, $0xFFFFF086  }
0x1c: {  	p1 =	slt.u32 s9, $0xF7A;
	s5 =	simm.s32 @!p2 $0x0  }
0x1d: {  	s5 =	simm.s32 @p1 $0x1;
	p0 =	seq.s32 s7, s2  }
0x1e: {  	s7 =	smul.u32 @!p0 $0xF7A, s2;
	p2 =	seq.s32 @!p0 s5, $0x0  }
0x1f: {  	s9 =	smul.u32 $0xF7A, s1;
	s8 =	simm.s32 @!p0 $0x1BF5;
	p2 =	por !p2, p0  }
0x20: {  	[sflag:s8] =	ssyncset.s32 @!p0 $0xFFFFF086;
	s6 =	sadd.s32 @!p0 s3, s7;
	s7 =	simm.s32 @!p0 $0x108  }
0x21: {  	s3 =	sadd.s32 s3, s9;
	s6 =	sadd.s32 @!p0 $0x88, s6;
	s7 =	simm.s32 @p2 $0x1082  }
0x22: {  	[simem:s7], [sflag:s8] =	dma.local @!p0 [hbm:s6], $0xF7A  }
0x23: {  	s9 =	sor.u32 $0xD0000000, s2;
	s6 =	simm.s32 $0x108;
	_ =	swait.ge @!p0 [sflag:s8], $0x0  }
0x24: {  	s3 =	sadd.s32 $0x88, s3;
	s6 =	simm.s32 @!p1 $0x1082;
	[sflag:s4] =	ssyncset.s32 $0xFFFFF086  }
0x25: {  	[simem:s6], [sflag:s4] =	dma.local [hbm:s3], $0xF7A  }
0x26: {  	[smem:$0x3F9F] =	sst s1;
	(tag) =	ssettag s2;
	_ =	strace s9  }
0x27: {  	s1 =	sld [smem:$0x3FAF]  }
0x28: {  	s2 =	sld [smem:$0x3FB0]  }
0x29: {  	s4 =	sld [smem:$0x3FB2]  }
0x2a: {  	p0 =	seq.s32 s5, $0x0;
	s5 =	sld [smem:$0x3FB3]  }
0x2b: {  	s6 =	sld [smem:$0x3FB4]  }
0x2c: {  	s7 =	sld [smem:$0x3FB5]  }
0x2d: {  	s3 =	simm.s32 $0x108;
	s8 =	sld [smem:$0x3FB6]  }
0x2e: {  	s3 =	simm.s32 @!p0 $0x1082;
	s9 =	sld [smem:$0x3FB7]  }
0x2f: {  	lr =	sadd.s32 s0, s3;
	s0 =	sld [smem:$0x3FAE]  }
0x30: {  	s3 =	sld [smem:$0x3FB1]  }
0x31: {  	[smem:$0x3FBA] =	sst s10  }
0x32: {  	s10 =	sld [smem:$0x3FB8];
	_ =	sdelay $0x3  }
0x33: {  	p0 =	seq.s32 s10, $0x1;
	s10 =	sld [smem:$0x3FBA];
	_ =	sdelay $0x3  }
0x34: {  	[smem:$0x3FBA] =	sst s10  }
0x35: {  	s10 =	sld [smem:$0x3FB9];
	_ =	sdelay $0x3  }
0x36: {  	p1 =	seq.s32 s10, $0x1;
	s10 =	sld [smem:$0x3FBA];
	_ =	sdelay $0x3  }
0x37: {  	[smem:$0x3FBA] =	sst s10  }
0x38: {  	s10 =	sld [smem:$0x3FBB]  }
0x39: {  	_ = 	snop;
	(pc) =	sbr.ind lr, $3  }
0x3a: {  	_ = 	snop  }
0x3b: {  	_ = 	snop  }
0x3c: {  	p2 =	seq.s32 s10, $0x1;
	s10 =	sld [smem:$0x3FBA]  }
0x3d: {  	_ =	shalt  }
0x3e: {  	_ =	shalt  }
0x3f: {  	_ =	shalt  }
0x40: {  	_ =	shalt  }
0x41: {  	_ =	shalt  }
0x42: {  	_ =	shalt  }
0x43: {  	_ =	shalt  }
0x44: {  	_ =	shalt  }
0x45: {  	_ =	shalt  }
0x46: {  	_ =	shalt  }
0x47: {  	_ =	shalt  }
0x48: {  	_ =	shalt  }
0x49: {  	_ =	shalt  }
0x4a: {  	_ =	shalt  }
0x4b: {  	_ =	shalt  }
0x4c: {  	_ =	shalt  }
0x4d: {  	_ =	shalt  }
0x4e: {  	_ =	shalt  }
0x4f: {  	_ =	shalt  }
0x50: {  	_ =	shalt  }
0x51: {  	_ =	shalt  }
0x52: {  	_ =	shalt  }
0x53: {  	_ =	shalt  }
0x54: {  	_ =	shalt  }
0x55: {  	_ =	shalt  }
0x56: {  	_ =	shalt  }
0x57: {  	_ =	shalt  }
0x58: {  	_ =	shalt  }
0x59: {  	_ =	shalt  }
0x5a: {  	_ =	shalt  }
0x5b: {  	_ =	shalt  }
0x5c: {  	_ =	shalt  }
0x5d: {  	_ =	shalt  }
0x5e: {  	_ =	shalt  }
0x5f: {  	_ =	shalt  }
0x60: {  	_ =	shalt  }
0x61: {  	_ =	shalt  }
0x62: {  	_ =	shalt  }
0x63: {  	_ =	shalt  }
0x64: {  	_ =	shalt  }
0x65: {  	_ =	shalt  }
0x66: {  	_ =	shalt  }
0x67: {  	_ =	shalt  }
0x68: {  	_ =	shalt  }
0x69: {  	_ =	shalt  }
0x6a: {  	_ =	shalt  }
0x6b: {  	_ =	shalt  }
0x6c: {  	_ =	shalt  }
0x6d: {  	_ =	shalt  }
0x6e: {  	_ =	shalt  }
0x6f: {  	_ =	shalt  }
0x70: {  	_ =	shalt  }
0x71: {  	_ =	shalt  }
0x72: {  	_ =	shalt  }
0x73: {  	_ =	shalt  }
0x74: {  	_ =	shalt  }
0x75: {  	_ =	shalt  }
0x76: {  	_ =	shalt  }
0x77: {  	_ =	shalt  }
0x78: {  	_ =	shalt  }
0x79: {  	_ =	shalt  }
0x7a: {  	_ =	shalt  }
0x7b: {  	_ =	shalt  }
0x7c: {  	_ =	shalt  }
0x7d: {  	_ =	shalt  }
0x7e: {  	_ =	shalt  }
0x7f: {  	_ =	shalt  }
0x80: {  	_ =	shalt  }
0x81: {  	_ =	shalt  }
0x82: {  	_ =	shalt  }
0x83: {  	_ =	shalt  }
0x84: {  	_ =	shalt  }
0x85: {  	_ =	shalt  }
0x86: {  	_ =	shalt  }
0x87: {  	_ =	shalt  }
.Lfunc_end0:
.L_simem_size_0:
called_computation_lowered:
.L_overlay_start_0:
0x88: {  	s2 =	sld [smem:$0x3FD9]  }
0x89: {  	s3 =	sld [smem:$0x3FFE];
	_ =	sdelay $0x1  }
0x8a: {  	s1 =	srdreg.scid  }
0x8b: {  	s0 =	sand.u32 $0x1, s1  }
0x8c: {  	s17 =	sshll.u32 s0, $0xA;
	s2 =	sadd.s32 s3, s2  }
0x8d: {  	s2 =	sadd.s32 s2, s17  }
0x8e: {  	[smem:$0x3FC6] =	sst s2  }
0x8f: {  	_ = 	snop  }
0x90: {  	s2 =	sld [smem:$0x3FC9]  }
0x91: {  	s18 =	sld [smem:$0x3FD0];
	(tm) =	ssettm $0x1  }
0x92: {  	s4 =	sld [smem:$0x3FFB];
	_ =	sdelay $0x3  }
0x93: {  	_ =	strace s4  }
0x94: {  	s4 =	sld [smem:$0x3FFC];
	_ =	sdelay $0x3  }
0x95: {  	_ =	strace s4  }
0x96: {  	s4 =	sld [smem:$0x3FFD];
	_ =	sdelay $0x3  }
0x97: {  	_ =	strace s4  }
0x98: {  	_ =	strace $0x8FFFFFFF  }
0x99: {  	s19 =	sld [smem:$0x3FDB];
	_ =	sdelay $0x1  }
0x9a: {  	s5 =	simm.s32 $_scs_section_size  }
0x9b: {  	s6 =	simm.s32 $_size__tile_overlayer_lowered;
	s7 =	simm.s32 $_tile_overlayer_lowered  }
0x9c: {  	s22 =	simm.s32 $0x1BFF;
	s21 =	sshll.u32 s7, $0x1;
	s4 =	sadd.s32 s5, s19  }
0x9d: {  	s8 =	simm.s32 $0x0;
	s20 =	sshll.u32 s6, $0x1;
	s6 =	sadd.s32 s21, s4  }
0x9e: {  	[timem:s8], [sflag:s22] =	dma.local [hbm:s6], s20  }
0x9f: {  	_ =	swait.ge [sflag:s22], s20  }
0xa0: {  	s5 =	ssub.s32 $0x0, s20;
	[sflag:s22] =	ssyncset.done $0x0  }
0xa1: {  	[sflag:s22] =	ssyncadd.s32 s5;
	_ =	sdelay $0x1  }
0xa2: {  	s23 =	simm.s32 $0x1B8B  }
0xa3: {  	_ =	swait.ge [sflag:s23], $0x1  }
0xa4: {  	[sflag:s23] =	ssyncset.done $0x0  }
0xa5: {  	s25 =	simm.s32 $0x1B8E;
	s24 =	sld [smem:$0x3FFE];
	[sflag:s23] =	ssyncadd.s32 $0xFFFFFFFF  }
0xa6: {  	s26 =	simm.s32 $execute0_lowered;
	[smem:$0x3FD2] =	sst s25  }
0xa7: {  	s6 =	sshll.u32 s26, $0x1;
	_ =	strace $0x80000046;
	[dreg:$0x1] =	wrdreg $0xFFFFFFFF  }
0xa8: {  	s28 =	simm.s32 $_size_execute0_lowered;
	s4 =	sadd.s32 s4, s6;
	[dreg:$0x0] =	wrdreg $0x0  }
0xa9: {  	s6 =	sshll.u32 s28, $0x1;
	[dreg:$0x2] =	wrdreg s4  }
0xaa: {  	[dreg:$0x3] =	wrdreg s6  }
0xab: {  	[dreg:$0x4] =	wrdreg $0xC0  }
0xac: {  	_ =	task [dreg:s8], $0x5FFFF  }
0xad: {  	[dreg:$0x1] =	wrdreg $0xFFFFFFFF  }
0xae: {  	[dreg:$0x0] =	wrdreg $0x60  }
0xaf: {  	[dreg:$0x2] =	wrdreg s2  }
0xb0: {  	[dreg:$0x3] =	wrdreg s24  }
0xb1: {  	[dreg:$0x4] =	wrdreg s18  }
0xb2: {  	[dreg:$0x5] =	wrdreg $0x9  }
0xb3: {  	_ =	task.clear_ibuf [dreg:s8], $0x6FFFF;
	_ =	strace $0x90000046  }
0xb4: {  	s29 =	simm.s32 $0x9;
	_ =	strace $0x80000048  }
0xb5: {  	_ =	swait.ge [sflag:s29], $0x1  }
0xb6: {  	[sflag:s29] =	ssyncadd.s32 $0xFFFFFFFF  }
0xb7: {  	_ =	strace $0x90000048  }
0xb8: {  	_ =	sfence  }
0xb9: {  	s30 =	sld [smem:$0x0];
	_ =	sdelay $0x2  }
0xba: {  	s31 =	sshll.u32 s1, $0xD;
	s1 =	sshrl.u32 s1, $0x2  }
0xbb: {  	s3 =	sand.u32 $0x4000, s31;
	s1 =	sadd.s32 s1, s30  }
0xbc: {  	s0 =	sor.u32 s3, s0;
	s1 =	sshll.u32 s1, $0x11  }
0xbd: {  	s0 =	sor.u32 s1, s0  }
0xbe: {  	s0 =	sadd.s32 $0x8F2B, s0  }
0xbf: {  	[sflag:s0] =	ssyncadd.remote.s32 $0x1  }
0xc0: {  	_ =	sfence.sel $0xFFFF  }
0xc1: {  	[dreg:$0x0] =	wrdreg $0xFFFFFFFF;
	(pc) =	sbr.abs _section_cstart, $3  }
0xc2: {  	[dreg:$0x1] =	wrdreg $0xFFFFFFFF  }
0xc3: {  	_ =	task.clear_ibuf [dreg:s8], $0x2FFFF;
	_ =	strace $0x9FFFFFFF  }
0xc4: {  	(tm) =	ssettm $0x7FFFFFFF  }
0xc5: {  	_ =	shalt  }
tec
execute0_lowered:
.L_overlay_start_1:
0x0: {  	(tag) =	ssettag $0x1  }
0x1: {  	s1 =	rddreg [dreg:$0x0]  }
0x2: {  	s2 =	rddreg [dreg:$0x1]  }
0x3: {  	s3 =	rddreg [dreg:$0x2]  }
0x4: {  	s4 =	srdreg.scid;
	s0 =	rddreg [dreg:$0x3];
	s5 =	simm.s32 $0x0  }
0x5: {  	s10 =	simm.s32 $0x80;
	s11 =	simm.s32 $0x50;
	s12 =	simm.s32 $0x100  }
0x6: {  	s13 =	simm.s32 $0x2900;
	s14 =	simm.s32 $0x1;
	s15 =	simm.s32 $0x2  }
0x7: {  	vm0 =	vmmov $0x1;
	vm1 =	vmmov $0x3;
	vm2 =	vmmov $0x7;
	s16 =	simm.s32 $0x5100;
	s17 =	simm.s32 $0x0;
	s6 =	sand.u32 $0x1, s4  }
0x8: {  	vm3 =	vmmov $0xf;
	vm4 =	vmmov $0x1f;
	vm5 =	vmmov $0x3f;
	s4 =	stileid.u32;
	[smem:$0x7FF] =	sst s5;
	s7 =	ssub.s32 $0x2, s6  }
0x9: {  	vm6 =	vmmov $0x7f;
	vm7 =	vmmov $0xff;
	vm8 =	vmmov $0x1ff;
	s9 =	sshll.u32 s4, $0x1;
	_ =	strace $0x80000047;
	s8 =	sshrl.u32 s7, $0x1  }
0xa: {  	vm9 =	vmmov $0x3ff;
	vm10 =	vmmov $0x7ff;
	vm11 =	vmmov $0xfff;
	s31 =	sor.u32 s6, s9;
	s6 =	sadd.s32 $0x9E00, s2;
	s8 =	ssub.s32 s7, s8  }
0xb: {  	vm12 =	vmmov $0x1fff;
	vm13 =	vmmov $0x3fff;
	vm14 =	vmmov $0x7fff;
	s9 =	simm.s32 $0x3;
	s7 =	smul.u32 $0x2710, s31;
	s8 =	smax.u32 s8, $0x1  }
.LBB2_1:
0xc: {  	s18 =	simm.s32 $0x0  }
.LBB2_2:
0xd: {  	s19 =	smul.u32 $0x50, s18;
	_ =	sdelay $0x1  }
0xe: {  	s19 =	sadd.s32 s7, s19  }
0xf: {  	s19 =	sshrl.u32 s19, $0x3  }
0x10: {  	s20 =	simm.s32 $0x0;
	s21 =	sadd.s32 s6, s19  }
0x11: {  	[tilespmem:s20], [sflag:$0x3] =	stream.linear.gather [hbm4b:s21+s20], $0x50, $0x38;
	[tilespmem:$0x5180] =	vst v63  }
0x12: {  	_ =	swait.ge [sflag:s9], $0x50  }
0x13: {  	[sflag:s9] =	ssyncset.done $0x0  }
0x14: {  	s31 =	sadd.s32 s2, s19;
	[sflag:s9] =	ssyncadd.s32 $0xFFFFFFB0  }
0x15: {  	[tilespmem:s10], [sflag:$0x3] =	stream.linear.gather [hbm4b:s31+s20], $0x50, $0x38;
	[tilespmem:$0x5180] =	vst v63  }
0x16: {  	_ =	swait.ge [sflag:s9], $0x50  }
0x17: {  	[sflag:s9] =	ssyncset.done $0x0  }
0x18: {  	[sflag:s9] =	ssyncadd.s32 $0xFFFFFFB0  }
0x19: {  	[tilespmem:s12], [sflag:$0x1] =	stream.indirect.gather [hbm4b:s1+s11], $0x80, s20, s11, $0xb8;
	[tilespmem:$0x5180] =	vst v63  }
0x1a: {  	_ = 	snop  }
0x1b: {  	[tilespmem:s13], [sflag:$0x2] =	stream.indirect.gather [hbm4b:s1+s11], $0x80, s10, s11, $0xb8;
	[tilespmem:$0x5180] =	vst v63  }
0x1c: {  	_ =	swait.ge [sflag:s14], $0x2800  }
0x1d: {  	[sflag:s14] =	ssyncset.done $0x0  }
0x1e: {  	[sflag:s14] =	ssyncadd.s32 $0xFFFFD800  }
0x1f: {  	_ =	swait.ge [sflag:s15], $0x2800  }
0x20: {  	[sflag:s15] =	ssyncset.done $0x0  }
0x21: {  	s21 =	simm.s32 $0x0;
	[sflag:s15] =	ssyncadd.s32 $0xFFFFD800  }
0x22: {  	v2 =	vld [tilespmem:s21+$0x560];
	_ =	sdelay $0x4  }
0x23: {  	[tilespmem:$0x1FAC0] =	vst v2;
	v2 =	vld [tilespmem:s21+$0x2D60];
	_ =	sdelay $0x4  }
0x24: {  	[tilespmem:$0x1FAD0] =	vst v2;
	v2 =	vld [tilespmem:s21+$0x5D0];
	_ =	sdelay $0x4  }
0x25: {  	[tilespmem:$0x1FB10] =	vst v2;
	v2 =	vld [tilespmem:s21+$0x2DD0];
	_ =	sdelay $0x4  }
0x26: {  	[tilespmem:$0x1FB20] =	vst v2;
	v2 =	vld [tilespmem:s21+$0x640];
	_ =	sdelay $0x4  }
0x27: {  	[tilespmem:$0x1FB30] =	vst v2;
	v2 =	vld [tilespmem:s21+$0x2E40];
	_ =	sdelay $0x4  }
0x28: {  	[tilespmem:$0x1FB40] =	vst v2;
	v2 =	vld [tilespmem:s21+$0x6B0];
	_ =	sdelay $0x4  }
0x29: {  	[tilespmem:$0x1FAE0] =	vst v2;
	v2 =	vld [tilespmem:s21+$0x2EB0];
	_ =	sdelay $0x4  }
0x2a: {  	[tilespmem:$0x1FAF0] =	vst v2;
	v2 =	vld [tilespmem:s21+$0x780];
	_ =	sdelay $0x4  }
0x2b: {  	[tilespmem:$0x1FB00] =	vst v2;
	v2 =	vld [tilespmem:s21+$0x470];
	_ =	sdelay $0x4  }
0x2c: {  	[tilespmem:$0x1FB50] =	vst v2;
	v2 =	vld [tilespmem:s21+$0x2C70];
	_ =	sdelay $0x4  }
0x2d: {  	[tilespmem:$0x1FB60] =	vst v2;
	v2 =	vld [tilespmem:s21+$0x4E0];
	_ =	sdelay $0x4  }
0x2e: {  	[tilespmem:$0x1F8A0] =	vst v2;
	v2 =	vld [tilespmem:s21+$0x550];
	_ =	sdelay $0x4  }
0x2f: {  	[tilespmem:$0x1FB80] =	vst v2;
	v2 =	vld [tilespmem:s21+$0x2D50];
	_ =	sdelay $0x4  }
0x30: {  	[tilespmem:$0x1FB90] =	vst v2;
	v2 =	vld [tilespmem:s21+$0x5C0];
	_ =	sdelay $0x4  }
0x31: {  	[tilespmem:$0x1FBA0] =	vst v2;
	v2 =	vld [tilespmem:s21+$0x2DC0];
	_ =	sdelay $0x4  }
0x32: {  	[tilespmem:$0x1FBB0] =	vst v2;
	v2 =	vld [tilespmem:s21+$0x630];
	_ =	sdelay $0x4  }
0x33: {  	[tilespmem:$0x1FBF0] =	vst v2;
	v2 =	vld [tilespmem:s21+$0x2E30];
	_ =	sdelay $0x4  }
0x34: {  	[tilespmem:$0x1FC00] =	vst v2;
	v2 =	vld [tilespmem:s21+$0x3F0];
	_ =	sdelay $0x4  }
0x35: {  	[tilespmem:$0x1FBD0] =	vst v2;
	v2 =	vld [tilespmem:s21+$0x2BF0];
	_ =	sdelay $0x4  }
0x36: {  	[tilespmem:$0x1FBE0] =	vst v2;
	v2 =	vld [tilespmem:s21+$0x460];
	_ =	sdelay $0x4  }
0x37: {  	[tilespmem:$0x1FC20] =	vst v2;
	v2 =	vld [tilespmem:s21+$0x2C60];
	_ =	sdelay $0x4  }
0x38: {  	[tilespmem:$0x1FC30] =	vst v2;
	v2 =	vld [tilespmem:s21+$0x4D0];
	_ =	sdelay $0x4  }
0x39: {  	[tilespmem:$0x1F8B0] =	vst v2;
	v2 =	vld [tilespmem:s21+$0x2CD0];
	_ =	sdelay $0x4  }
0x3a: {  	[tilespmem:$0x1F8C0] =	vst v2;
	v2 =	vld [tilespmem:s21+$0x540];
	_ =	sdelay $0x4  }
0x3b: {  	[tilespmem:$0x1FC40] =	vst v2;
	v2 =	vld [tilespmem:s21+$0x2D40];
	_ =	sdelay $0x4  }
0x3c: {  	[tilespmem:$0x1FC50] =	vst v2;
	v2 =	vld [tilespmem:s21+$0x5B0];
	_ =	sdelay $0x4  }
0x3d: {  	[tilespmem:$0x1FC60] =	vst v2;
	v2 =	vld [tilespmem:s21+$0x2DB0];
	_ =	sdelay $0x4  }
0x3e: {  	[tilespmem:$0x1FC70] =	vst v2;
	v2 =	vld [tilespmem:s21+$0x620];
	_ =	sdelay $0x4  }
0x3f: {  	[tilespmem:$0x1FC80] =	vst v2;
	v2 =	vld [tilespmem:s21+$0x2E20];
	_ =	sdelay $0x4  }
0x40: {  	[tilespmem:$0x1FC90] =	vst v2;
	v2 =	vld [tilespmem:s21+$0x3E0];
	_ =	sdelay $0x4  }
0x41: {  	[tilespmem:$0x1FCA0] =	vst v2;
	v2 =	vld [tilespmem:s21+$0x2BE0];
	_ =	sdelay $0x4  }
0x42: {  	[tilespmem:$0x1FCB0] =	vst v2;
	v2 =	vld [tilespmem:s21+$0x450];
	_ =	sdelay $0x4  }
0x43: {  	[tilespmem:$0x1FD00] =	vst v2;
	v2 =	vld [tilespmem:s21+$0x2C50];
	_ =	sdelay $0x4  }
0x44: {  	[tilespmem:$0x1FD10] =	vst v2;
	v2 =	vld [tilespmem:s21+$0x4C0];
	_ =	sdelay $0x4  }
0x45: {  	[tilespmem:$0x1FD40] =	vst v2;
	v2 =	vld [tilespmem:s21+$0x2CC0];
	_ =	sdelay $0x4  }
0x46: {  	[tilespmem:$0x1FD50] =	vst v2;
	v2 =	vld [tilespmem:s21+$0x530];
	_ =	sdelay $0x4  }
0x47: {  	[tilespmem:$0x1FD20] =	vst v2;
	v2 =	vld [tilespmem:s21+$0x2D30];
	_ =	sdelay $0x4  }
0x48: {  	[tilespmem:$0x1FD30] =	vst v2;
	v2 =	vld [tilespmem:s21+$0x600];
	_ =	sdelay $0x4  }
0x49: {  	[tilespmem:$0x1FCC0] =	vst v2;
	v2 =	vld [tilespmem:s21+$0x2E00];
	_ =	sdelay $0x4  }
0x4a: {  	[tilespmem:$0x1FCD0] =	vst v2;
	v2 =	vld [tilespmem:s21+$0x610];
	_ =	sdelay $0x4  }
0x4b: {  	[tilespmem:$0x1FCE0] =	vst v2;
	v2 =	vld [tilespmem:s21+$0x2E10];
	_ =	sdelay $0x4  }
0x4c: {  	[tilespmem:$0x1FCF0] =	vst v2;
	v2 =	vld [tilespmem:s21+$0x2F0];
	_ =	sdelay $0x4  }
0x4d: {  	[tilespmem:$0x1FD70] =	vst v2;
	v2 =	vld [tilespmem:s21+$0x2AF0];
	_ =	sdelay $0x4  }
0x4e: {  	[tilespmem:$0x1FD80] =	vst v2;
	v2 =	vld [tilespmem:s21+$0x360];
	_ =	sdelay $0x4  }
0x4f: {  	[tilespmem:$0x1F8D0] =	vst v2;
	v2 =	vld [tilespmem:s21+$0x3D0];
	_ =	sdelay $0x4  }
0x50: {  	[tilespmem:$0x1FD90] =	vst v2;
	v2 =	vld [tilespmem:s21+$0x2BD0];
	_ =	sdelay $0x4  }
0x51: {  	[tilespmem:$0x1FDA0] =	vst v2;
	v2 =	vld [tilespmem:s21+$0x440];
	_ =	sdelay $0x4  }
0x52: {  	[tilespmem:$0x1FDB0] =	vst v2;
	v2 =	vld [tilespmem:s21+$0x2C40];
	_ =	sdelay $0x4  }
0x53: {  	[tilespmem:$0x1FDC0] =	vst v2;
	v2 =	vld [tilespmem:s21+$0x4B0];
	_ =	sdelay $0x4  }
0x54: {  	[tilespmem:$0x1FDD0] =	vst v2;
	v2 =	vld [tilespmem:s21+$0x2CB0];
	_ =	sdelay $0x4  }
0x55: {  	[tilespmem:$0x1FDE0] =	vst v2;
	v2 =	vld [tilespmem:s21+$0x270];
	_ =	sdelay $0x4  }
0x56: {  	[tilespmem:$0x1FE00] =	vst v2;
	v2 =	vld [tilespmem:s21+$0x2A70];
	_ =	sdelay $0x4  }
0x57: {  	[tilespmem:$0x1FE10] =	vst v2;
	v2 =	vld [tilespmem:s21+$0x2E0];
	_ =	sdelay $0x4  }
0x58: {  	[tilespmem:$0x1FE20] =	vst v2;
	v2 =	vld [tilespmem:s21+$0x2AE0];
	_ =	sdelay $0x4  }
0x59: {  	[tilespmem:$0x1FE30] =	vst v2;
	v2 =	vld [tilespmem:s21+$0x350]  }
0x5a: {  	v0 =	vld [tilespmem:s21+$0x30D0];
	_ =	sdelay $0x3  }
0x5b: {  	[tilespmem:$0x1F8E0] =	vst v2;
	v2 =	vld [tilespmem:s21+$0x2B50]  }
0x5c: {  	[tilespmem:$0x1F810] =	vst v0;
	v0 =	vld [tilespmem:s21+$0x8C0];
	_ =	sdelay $0x3  }
0x5d: {  	[tilespmem:$0x1F8F0] =	vst v2;
	v2 =	vld [tilespmem:s21+$0x3C0]  }
0x5e: {  	[tilespmem:$0x1F820] =	vst v0;
	v0 =	vld [tilespmem:s21+$0x30C0];
	_ =	sdelay $0x3  }
0x5f: {  	[tilespmem:$0x1FE40] =	vst v2;
	v2 =	vld [tilespmem:s21+$0x2BC0]  }
0x60: {  	[tilespmem:$0x1F830] =	vst v0;
	v0 =	vld [tilespmem:s21+$0x7E0];
	_ =	sdelay $0x3  }
0x61: {  	[tilespmem:$0x1FE50] =	vst v2;
	v2 =	vld [tilespmem:s21+$0x430]  }
0x62: {  	[tilespmem:$0x1F840] =	vst v0;
	v0 =	vld [tilespmem:s21+$0x2EF0];
	_ =	sdelay $0x3  }
0x63: {  	[tilespmem:$0x1FE80] =	vst v2;
	v2 =	vld [tilespmem:s21+$0x2C30]  }
0x64: {  	[tilespmem:$0x1F940] =	vst v0;
	v0 =	vld [tilespmem:s21+$0x2F60];
	_ =	sdelay $0x3  }
0x65: {  	[tilespmem:$0x1FE90] =	vst v2;
	v2 =	vld [tilespmem:s21+$0x4A0]  }
0x66: {  	[tilespmem:$0x1F960] =	vst v0;
	v0 =	vld [tilespmem:s21+$0x7D0];
	_ =	sdelay $0x3  }
0x67: {  	[tilespmem:$0x1FEA0] =	vst v2;
	v2 =	vld [tilespmem:s21+$0x2CA0]  }
0x68: {  	[tilespmem:$0x1F850] =	vst v0;
	v0 =	vld [tilespmem:s21+$0x2FD0];
	_ =	sdelay $0x3  }
0x69: {  	[tilespmem:$0x1FEB0] =	vst v2;
	v2 =	vld [tilespmem:s21+$0x170]  }
0x6a: {  	[tilespmem:$0x1F860] =	vst v0;
	v0 =	vld [tilespmem:s21+$0x3040];
	_ =	sdelay $0x3  }
0x6b: {  	[tilespmem:$0x1FF20] =	vst v2;
	v2 =	vld [tilespmem:s21+$0x2970]  }
0x6c: {  	[tilespmem:$0x1F970] =	vst v0;
	v0 =	vld [tilespmem:s21+$0x8A0];
	_ =	sdelay $0x3  }
0x6d: {  	[tilespmem:$0x1FF30] =	vst v2;
	v2 =	vld [tilespmem:s21+$0x260]  }
0x6e: {  	[tilespmem:$0x1F980] =	vst v0;
	v0 =	vld [tilespmem:s21+$0x30A0];
	_ =	sdelay $0x3  }
0x6f: {  	[tilespmem:$0x1FF40] =	vst v2;
	v2 =	vld [tilespmem:s21+$0x2A60]  }
0x70: {  	[tilespmem:$0x1F990] =	vst v0;
	v0 =	vld [tilespmem:s21+$0x6E0];
	_ =	sdelay $0x3  }
0x71: {  	[tilespmem:$0x1FF50] =	vst v2;
	v2 =	vld [tilespmem:s21+$0x2D0]  }
0x72: {  	[tilespmem:$0x1F9B0] =	vst v0;
	v0 =	vld [tilespmem:s21+$0x2EE0];
	_ =	sdelay $0x3  }
0x73: {  	[tilespmem:$0x1FF60] =	vst v2;
	v2 =	vld [tilespmem:s21+$0x2AD0]  }
0x74: {  	[tilespmem:$0x1F9C0] =	vst v0;
	v0 =	vld [tilespmem:s21+$0x2F50];
	_ =	sdelay $0x3  }
0x75: {  	[tilespmem:$0x1FF70] =	vst v2;
	v2 =	vld [tilespmem:s21+$0x340]  }
0x76: {  	[tilespmem:$0x1F9D0] =	vst v0;
	v0 =	vld [tilespmem:s21+$0x7C0];
	_ =	sdelay $0x3  }
0x77: {  	[tilespmem:$0x1F900] =	vst v2;
	v2 =	vld [tilespmem:s21+$0x2B40]  }
0x78: {  	[tilespmem:$0x1F9E0] =	vst v0;
	v0 =	vld [tilespmem:s21+$0x2FC0];
	_ =	sdelay $0x3  }
0x79: {  	[tilespmem:$0x1F910] =	vst v2;
	v2 =	vld [tilespmem:s21+$0x3B0]  }
0x7a: {  	[tilespmem:$0x1F9F0] =	vst v0;
	v0 =	vld [tilespmem:s21+$0x880];
	_ =	sdelay $0x3  }
0x7b: {  	[tilespmem:$0x1FEC0] =	vst v2;
	v2 =	vld [tilespmem:s21+$0x2BB0]  }
0x7c: {  	[tilespmem:$0x1FA00] =	vst v0;
	v0 =	vld [tilespmem:s21+$0x3080];
	_ =	sdelay $0x3  }
0x7d: {  	[tilespmem:$0x1FED0] =	vst v2;
	v2 =	vld [tilespmem:s21+$0x420]  }
0x7e: {  	[tilespmem:$0x1FA10] =	vst v0;
	v0 =	vld [tilespmem:s21+$0x890];
	_ =	sdelay $0x3  }
0x7f: {  	[tilespmem:$0x1FE60] =	vst v2;
	v2 =	vld [tilespmem:s21+$0x2C20]  }
0x80: {  	[tilespmem:$0x1FA20] =	vst v0;
	v0 =	vld [tilespmem:s21+$0x3090];
	_ =	sdelay $0x3  }
0x81: {  	[tilespmem:$0x1FE70] =	vst v2;
	v2 =	vld [tilespmem:s21+$0x480]  }
0x82: {  	[tilespmem:$0x1FA30] =	vst v0;
	v0 =	vld [tilespmem:s21+$0x5F0];
	_ =	sdelay $0x3  }
0x83: {  	[tilespmem:$0x1FEE0] =	vst v2;
	v2 =	vld [tilespmem:s21+$0x2C80]  }
0x84: {  	[tilespmem:$0x1FA40] =	vst v0;
	v0 =	vld [tilespmem:s21+$0x2DF0];
	_ =	sdelay $0x3  }
0x85: {  	[tilespmem:$0x1FEF0] =	vst v2;
	v2 =	vld [tilespmem:s21+$0x490]  }
0x86: {  	[tilespmem:$0x1FA50] =	vst v0;
	v0 =	vld [tilespmem:s21+$0x660];
	_ =	sdelay $0x3  }
0x87: {  	[tilespmem:$0x1FF00] =	vst v2;
	v2 =	vld [tilespmem:s21+$0x2C90]  }
0x88: {  	[tilespmem:$0x1F870] =	vst v0;
	v0 =	vld [tilespmem:s21+$0x6D0];
	_ =	sdelay $0x3  }
0x89: {  	[tilespmem:$0x1FF10] =	vst v2;
	v2 =	vld [tilespmem:s21+$0x160]  }
0x8a: {  	[tilespmem:$0x1FA60] =	vst v0;
	v0 =	vld [tilespmem:s21+$0x650];
	_ =	sdelay $0x3  }
0x8b: {  	[tilespmem:$0x1FF80] =	vst v2;
	v2 =	vld [tilespmem:s21+$0x2960]  }
0x8c: {  	[tilespmem:$0x1F880] =	vst v0;
	v0 =	vld [tilespmem:s21+$0x2E50];
	_ =	sdelay $0x3  }
0x8d: {  	[tilespmem:$0x1FF90] =	vst v2;
	v2 =	vld [tilespmem:s21+$0x250]  }
0x8e: {  	[tilespmem:$0x1F890] =	vst v0;
	v0 =	vld [tilespmem:s21+$0x7A0];
	_ =	sdelay $0x2  }
0x8f: {  	v3 =	vld [tilespmem:s21+$0x870]  }
0x90: {  	[tilespmem:$0x1FFA0] =	vst v2;
	v2 =	vld [tilespmem:s21+$0x2A50]  }
0x91: {  	[tilespmem:$0x1FA90] =	vst v0;
	v0 =	vld [tilespmem:s21+$0x2FA0]  }
0x92: {  	v7 =	vld [tilespmem:s21+$0x860]  }
0x93: {  	v10 =	vld [tilespmem:s21+$0x3060]  }
0x94: {  	v13 =	vld [tilespmem:s21+$0x800]  }
0x95: {  	[tilespmem:$0x1FFB0] =	vst v2;
	v2 =	vld [tilespmem:s21+$0x2C0]  }
0x96: {  	[tilespmem:$0x1FAA0] =	vst v0;
	v0 =	vld [tilespmem:s21+$0x3000]  }
0x97: {  	v6 =	vld [tilespmem:s21+$0x8B0]  }
0x98: {  	v12 =	vld [tilespmem:s21+$0x30B0]  }
0x99: {  	v61 =	vld [tilespmem:s21+$0x6F0]  }
0x9a: {  	[tilespmem:$0x1FFD0] =	vst v2;
	v2 =	vld [tilespmem:s21+$0x2AC0]  }
0x9b: {  	v13 =	vmul.f32 v0, v13;
	v0 =	vld [tilespmem:$0x1F940]  }
0x9c: {  	v5 =	vld [tilespmem:s21+$0x3070];
	_ =	sdelay $0x1  }
0x9d: {  	v16 =	vld [tilespmem:s21+$0x760]  }
0x9e: {  	v9 =	vld [tilespmem:s21+$0x810];
	[tilespmem:$0x1FFE0] =	vst v2;
	v2 =	vmul.f32 v10, v7  }
0x9f: {  	v8 =	vld [tilespmem:s21+$0x3010];
	v10 =	vmul.f32 v0, v61;
	v0 =	vmul.f32 v12, v6  }
0xa0: {  	v3 =	vmul.f32 v5, v3;
	v5 =	vld [tilespmem:s21+$0x330]  }
0xa1: {  	[tilespmem:$0x1F950] =	vst v0;
	v0 =	vld [tilespmem:$0x1F960]  }
0xa2: {  	v54 =	vld [tilespmem:s21+$0x840]  }
0xa3: {  	v24 =	vld [tilespmem:s21+$0x820]  }
0xa4: {  	v23 =	vld [tilespmem:s21+$0x3020]  }
0xa5: {  	[tilespmem:$0x1F920] =	vst v5;
	v5 =	vld [tilespmem:s21+$0x2B30]  }
0xa6: {  	v8 =	vmul.f32 v8, v9;
	v9 =	vmul.f32 v0, v16;
	v0 =	vld [tilespmem:$0x1F970];
	_ =	sdelay $0x3  }
0xa7: {  	[tilespmem:$0x1F930] =	vst v5;
	v5 =	vld [tilespmem:$0x1F990]  }
0xa8: {  	v8 =	vadd.f32 v8, v13;
	v13 =	vmul.f32 v23, v24;
	v23 =	vmul.f32 v0, v54;
	v0 =	vld [tilespmem:$0x1F980]  }
0xa9: {  	v59 =	vld [tilespmem:s21+$0x850]  }
0xaa: {  	v45 =	vld [tilespmem:s21+$0x3050]  }
0xab: {  	v14 =	vld [tilespmem:s21+$0x750]  }
0xac: {  	v51 =	vld [tilespmem:s21+$0x830]  }
0xad: {  	v1 =	vld [tilespmem:s21+$0x3030];
	v0 =	vmul.f32 v5, v0  }
0xae: {  	v5 =	vld [tilespmem:$0x1F9C0]  }
0xaf: {  	[tilespmem:$0x1F9A0] =	vst v0;
	v0 =	vld [tilespmem:$0x1F9B0]  }
0xb0: {  	v38 =	vld [tilespmem:s21+$0x740]  }
0xb1: {  	v57 =	vld [tilespmem:s21+$0x2F40]  }
0xb2: {  	v55 =	vld [tilespmem:s21+$0x7B0]  }
0xb3: {  	v48 =	vld [tilespmem:s21+$0x2FB0]  }
0xb4: {  	v7 =	vmul.f32 v5, v0;
	v0 =	vld [tilespmem:$0x1F9D0]  }
0xb5: {  	v53 =	vld [tilespmem:s21+$0x570]  }
0xb6: {  	v52 =	vld [tilespmem:s21+$0x2D70]  }
0xb7: {  	v41 =	vld [tilespmem:s21+$0x720]  }
0xb8: {  	v8 =	vadd.f32 v13, v8;
	v13 =	vmul.f32 v1, v51;
	v1 =	vld [tilespmem:$0x1F9F0]  }
0xb9: {  	v6 =	vmul.f32 v0, v14;
	v0 =	vld [tilespmem:$0x1F9E0]  }
0xba: {  	v35 =	vld [tilespmem:s21+$0x2F20]  }
0xbb: {  	v60 =	vld [tilespmem:s21+$0x2F80]  }
0xbc: {  	v62 =	vld [tilespmem:s21+$0x790]  }
0xbd: {  	v56 =	vld [tilespmem:s21+$0x2F90]  }
0xbe: {  	v51 =	vmul.f32 v1, v0;
	v0 =	vld [tilespmem:$0x1FA00]  }
0xbf: {  	v1 =	vld [tilespmem:$0x1FA10]  }
0xc0: {  	v33 =	vld [tilespmem:s21+$0x6A0]  }
0xc1: {  	v32 =	vld [tilespmem:s21+$0x2EA0]  }
0xc2: {  	v18 =	vld [tilespmem:s21+$0x680]  }
0xc3: {  	v8 =	vadd.f32 v13, v8;
	v5 =	vld [tilespmem:$0x1FA30]  }
0xc4: {  	v1 =	vmul.f32 v1, v0;
	v0 =	vld [tilespmem:$0x1FA20]  }
0xc5: {  	v17 =	vld [tilespmem:s21+$0x690];
	v59 =	vmul.f32 v45, v59;
	v8 =	vadd.f32 v23, v8  }
0xc6: {  	v4 =	vld [tilespmem:s21+$0x2E90]  }
0xc7: {  	v15 =	vld [tilespmem:s21+$0x2E80];
	v8 =	vadd.f32 v59, v8  }
0xc8: {  	v40 =	vld [tilespmem:s21+$0x700]  }
0xc9: {  	v31 =	vld [tilespmem:s21+$0x2F00];
	v2 =	vadd.f32 v2, v8;
	v0 =	vmul.f32 v5, v0  }
0xca: {  	v29 =	vld [tilespmem:s21+$0x710];
	v57 =	vmul.f32 v57, v38;
	v38 =	vmul.f32 v52, v53  }
0xcb: {  	v52 =	vadd.f32 v0, v1;
	v1 =	vmul.f32 v4, v17;
	v17 =	vadd.f32 v3, v2;
	v2 =	vld [tilespmem:$0x1FAC0]  }
0xcc: {  	v13 =	vmul.f32 v48, v55;
	v0 =	vmul.f32 v15, v18;
	v3 =	vld [tilespmem:$0x1FAD0]  }
0xcd: {  	v28 =	vld [tilespmem:s21+$0x2F10]  }
0xce: {  	[tilespmem:$0x1FA70] =	vst v13;
	v13 =	vld [tilespmem:s21+$0x240];
	v0 =	vadd.f32 v1, v0;
	v1 =	vmul.f32 v32, v33  }
0xcf: {  	v4 =	vld [tilespmem:s21+$0x320]  }
0xd0: {  	v0 =	vadd.f32 v1, v0;
	v1 =	vld [tilespmem:$0x1FB00]  }
0xd1: {  	v18 =	vmul.f32 v3, v2;
	v2 =	vld [tilespmem:$0x1FAE0]  }
0xd2: {  	v3 =	vld [tilespmem:$0x1FAF0]  }
0xd3: {  	v31 =	vmul.f32 v31, v40;
	v28 =	vmul.f32 v28, v29;
	[tilespmem:$0x1FFF0] =	vst v13;
	v13 =	vld [tilespmem:$0x1FA90]  }
0xd4: {  	v15 =	vld [tilespmem:$0x1FAA0]  }
0xd5: {  	v8 =	vmul.f32 v35, v41;
	[tilespmem:$0x1FA80] =	vst v4;
	v4 =	vadd.f32 v28, v31  }
0xd6: {  	v1 =	vmul.f32 v60, v1  }
0xd7: {  	v47 =	vld [tilespmem:s21+$0x6C0];
	v2 =	vmul.f32 v3, v2;
	v3 =	vadd.f32 v8, v4;
	v4 =	vmul.f32 v56, v62  }
0xd8: {  	v46 =	vld [tilespmem:s21+$0x2EC0]  }
0xd9: {  	v35 =	vmul.f32 v15, v13;
	v13 =	vld [tilespmem:s21+$0x2B20];
	v1 =	vadd.f32 v4, v1  }
0xda: {  	v0 =	vadd.f32 v2, v0;
	v2 =	vld [tilespmem:$0x1FB90]  }
0xdb: {  	[tilespmem:$0x1FB70] =	vst v1;
	v1 =	vld [tilespmem:$0x1FB80]  }
0xdc: {  	v42 =	vld [tilespmem:s21+$0x730]  }
0xdd: {  	v37 =	vld [tilespmem:s21+$0x2F30]  }
0xde: {  	v8 =	vld [tilespmem:$0x1FB10]  }
0xdf: {  	[tilespmem:$0x1FAB0] =	vst v13;
	v13 =	vld [tilespmem:$0x1FB20]  }
0xe0: {  	v62 =	vmul.f32 v2, v1;
	v1 =	vld [tilespmem:$0x1FBA0]  }
0xe1: {  	v2 =	vld [tilespmem:$0x1FBB0]  }
0xe2: {  	v22 =	vld [tilespmem:s21+$0x580]  }
0xe3: {  	v20 =	vld [tilespmem:s21+$0x2D80]  }
0xe4: {  	v28 =	vld [tilespmem:$0x1FB40]  }
0xe5: {  	v37 =	vmul.f32 v37, v42;
	v8 =	vmul.f32 v13, v8;
	v13 =	vld [tilespmem:$0x1FB30]  }
0xe6: {  	v2 =	vmul.f32 v2, v1;
	v1 =	vld [tilespmem:s21+$0x2940]  }
0xe7: {  	v23 =	vmul.f32 v46, v47;
	v3 =	vadd.f32 v37, v3  }
0xe8: {  	v29 =	vld [tilespmem:$0x1FB60]  }
0xe9: {  	v4 =	vadd.f32 v57, v3;
	v3 =	vmul.f32 v20, v22;
	v20 =	vadd.f32 v23, v0;
	v0 =	vld [tilespmem:$0x1FBD0]  }
0xea: {  	v59 =	vmul.f32 v28, v13;
	v13 =	vld [tilespmem:$0x1FB50]  }
0xeb: {  	[tilespmem:$0x1FBC0] =	vst v1;
	v1 =	vld [tilespmem:$0x1FBE0]  }
0xec: {  	v11 =	vld [tilespmem:s21+$0x770]  }
0xed: {  	v39 =	vld [tilespmem:s21+$0x2F70]  }
0xee: {  	v58 =	vld [tilespmem:s21+$0x2ED0]  }
0xef: {  	v32 =	vmul.f32 v29, v13;
	v13 =	vld [tilespmem:$0x1FC00]  }
0xf0: {  	v1 =	vmul.f32 v1, v0;
	v0 =	vld [tilespmem:$0x1FBF0]  }
0xf1: {  	v50 =	vld [tilespmem:s21+$0x5A0]  }
0xf2: {  	v34 =	vld [tilespmem:s21+$0x2DA0]  }
0xf3: {  	v5 =	vld [tilespmem:s21+$0x150]  }
0xf4: {  	v6 =	vadd.f32 v6, v4;
	v4 =	vld [tilespmem:$0x1FC20]  }
0xf5: {  	v0 =	vmul.f32 v13, v0;
	v13 =	vld [tilespmem:$0x1FC30]  }
0xf6: {  	v21 =	vld [tilespmem:s21+$0x590]  }
0xf7: {  	v19 =	vld [tilespmem:s21+$0x2D90]  }
0xf8: {  	v12 =	vld [tilespmem:$0x1FA50]  }
0xf9: {  	[tilespmem:$0x1FFC0] =	vst v5;
	v5 =	vld [tilespmem:$0x1FA40]  }
0xfa: {  	v31 =	vmul.f32 v13, v4;
	v4 =	vld [tilespmem:$0x1FC40]  }
0xfb: {  	v13 =	vld [tilespmem:$0x1FC50]  }
0xfc: {  	v27 =	vld [tilespmem:s21+$0x510]  }
0xfd: {  	v25 =	vld [tilespmem:s21+$0x2D10]  }
0xfe: {  	v12 =	vmul.f32 v12, v5;
	v5 =	vld [tilespmem:$0x1FA60]  }
0xff: {  	v6 =	vadd.f32 v9, v6;
	v9 =	vld [tilespmem:$0x1FC70]  }
0x100: {  	v19 =	vmul.f32 v19, v21;
	v21 =	vmul.f32 v13, v4;
	v4 =	vld [tilespmem:$0x1FC60];
	_ =	sdelay $0x1  }
0x101: {  	v49 =	vld [tilespmem:s21+$0x5E0];
	v11 =	vmul.f32 v39, v11;
	v3 =	vadd.f32 v19, v3;
	v19 =	vmul.f32 v34, v50  }
0x102: {  	v44 =	vld [tilespmem:s21+$0x2DE0];
	v5 =	vmul.f32 v58, v5  }
0x103: {  	v3 =	vadd.f32 v19, v3;
	v19 =	vmul.f32 v25, v27;
	v25 =	vadd.f32 v11, v6;
	v6 =	vld [tilespmem:$0x1FC90]  }
0x104: {  	v5 =	vadd.f32 v5, v20;
	v9 =	vmul.f32 v9, v4;
	v4 =	vld [tilespmem:$0x1FC80];
	_ =	sdelay $0x1  }
0x105: {  	v5 =	vadd.f32 v7, v5;
	_ =	sdelay $0x1  }
0x106: {  	v55 =	vmul.f32 v44, v49;
	v44 =	vadd.f32 v10, v5;
	v5 =	vld [tilespmem:$0x1FCB0]  }
0x107: {  	v34 =	vmul.f32 v6, v4;
	v4 =	vld [tilespmem:$0x1FCA0];
	_ =	sdelay $0x1  }
0x108: {  	v3 =	vadd.f32 v9, v3;
	_ =	sdelay $0x1  }
0x109: {  	v2 =	vadd.f32 v2, v3;
	v3 =	vld [tilespmem:$0x1FCC0]  }
0x10a: {  	v13 =	vmul.f32 v5, v4;
	v4 =	vld [tilespmem:$0x1FCD0];
	_ =	sdelay $0x1  }
0x10b: {  	v30 =	vld [tilespmem:s21+$0x500]  }
0x10c: {  	v26 =	vld [tilespmem:s21+$0x2D00]  }
0x10d: {  	v5 =	vld [tilespmem:$0x1FCF0]  }
0x10e: {  	v3 =	vmul.f32 v4, v3;
	v4 =	vld [tilespmem:$0x1FCE0]  }
0x10f: {  	v36 =	vld [tilespmem:s21+$0x520]  }
0x110: {  	v43 =	vld [tilespmem:s21+$0x2D20];
	_ =	sdelay $0x1  }
0x111: {  	v9 =	vld [tilespmem:$0x1FD10]  }
0x112: {  	v7 =	vmul.f32 v26, v30;
	v10 =	vmul.f32 v5, v4;
	v4 =	vld [tilespmem:$0x1FD00];
	_ =	sdelay $0x1  }
0x113: {  	v6 =	vadd.f32 v19, v7;
	v7 =	vmul.f32 v43, v36;
	_ =	sdelay $0x1  }
0x114: {  	v6 =	vadd.f32 v7, v6;
	v7 =	vld [tilespmem:$0x1FD30]  }
0x115: {  	v19 =	vmul.f32 v9, v4;
	v4 =	vld [tilespmem:$0x1FD20];
	_ =	sdelay $0x3  }
0x116: {  	v11 =	vld [tilespmem:$0x1FD50]  }
0x117: {  	v7 =	vmul.f32 v7, v4;
	v4 =	vld [tilespmem:$0x1FD40];
	_ =	sdelay $0x1  }
0x118: {  	v3 =	vadd.f32 v10, v3;
	_ =	sdelay $0x1  }
0x119: {  	[tilespmem:$0x1FD60] =	vst v3;
	v3 =	vld [tilespmem:$0x1FD70]  }
0x11a: {  	v36 =	vmul.f32 v11, v4;
	v4 =	vld [tilespmem:$0x1FD80];
	_ =	sdelay $0x3  }
0x11b: {  	v2 =	vadd.f32 v8, v2;
	v8 =	vld [tilespmem:$0x1FDA0]  }
0x11c: {  	v3 =	vmul.f32 v4, v3;
	v4 =	vld [tilespmem:$0x1FD90];
	_ =	sdelay $0x3  }
0x11d: {  	v6 =	vadd.f32 v7, v6;
	v7 =	vld [tilespmem:$0x1FDC0]  }
0x11e: {  	v27 =	vmul.f32 v8, v4;
	v4 =	vld [tilespmem:$0x1FDB0];
	_ =	sdelay $0x4  }
0x11f: {  	v10 =	vmul.f32 v7, v4;
	v4 =	vld [tilespmem:$0x1FDD0]  }
0x120: {  	v7 =	vld [tilespmem:$0x1FDE0];
	_ =	sdelay $0x4  }
0x121: {  	v42 =	vld [tilespmem:s21+$0x2B80];
	v4 =	vmul.f32 v7, v4  }
0x122: {  	v7 =	vadd.f32 v55, v2;
	v2 =	vld [tilespmem:$0x1FE00]  }
0x123: {  	[tilespmem:$0x1FDF0] =	vst v4;
	v4 =	vld [tilespmem:$0x1FE10]  }
0x124: {  	v24 =	vld [tilespmem:s21+$0x400]  }
0x125: {  	v61 =	vld [tilespmem:s21+$0x410]  }
0x126: {  	v15 =	vld [tilespmem:s21+$0x380]  }
0x127: {  	v8 =	vld [tilespmem:$0x1FE30]  }
0x128: {  	v2 =	vmul.f32 v4, v2;
	v4 =	vld [tilespmem:$0x1FE20]  }
0x129: {  	v16 =	vld [tilespmem:s21+$0x2C00]  }
0x12a: {  	v14 =	vld [tilespmem:s21+$0x2C10];
	_ =	sdelay $0x1  }
0x12b: {  	v6 =	vadd.f32 v21, v6;
	v21 =	vadd.f32 v12, v7;
	v7 =	vmul.f32 v42, v15;
	v15 =	vld [tilespmem:$0x1FE50]  }
0x12c: {  	v8 =	vmul.f32 v8, v4;
	v4 =	vld [tilespmem:$0x1FE40];
	_ =	sdelay $0x1  }
0x12d: {  	v14 =	vmul.f32 v14, v61;
	v11 =	vmul.f32 v16, v24;
	_ =	sdelay $0x1  }
0x12e: {  	v11 =	vadd.f32 v14, v11;
	v14 =	vld [tilespmem:$0x1FE70]  }
0x12f: {  	v24 =	vmul.f32 v15, v4;
	v4 =	vld [tilespmem:$0x1FE60];
	_ =	sdelay $0x1  }
0x130: {  	v6 =	vadd.f32 v62, v6  }
0x131: {  	v56 =	vld [tilespmem:s21+$0x390]  }
0x132: {  	v15 =	vadd.f32 v18, v6;
	v6 =	vld [tilespmem:$0x1FE90]  }
0x133: {  	v14 =	vmul.f32 v14, v4;
	v4 =	vld [tilespmem:$0x1FE80]  }
0x134: {  	v28 =	vld [tilespmem:s21+$0x2B90]  }
0x135: {  	v39 =	vld [tilespmem:s21+$0x3A0]  }
0x136: {  	v45 =	vld [tilespmem:s21+$0x2BA0];
	_ =	sdelay $0x1  }
0x137: {  	v11 =	vadd.f32 v14, v11;
	v14 =	vmul.f32 v6, v4;
	v4 =	vld [tilespmem:$0x1FEA0]  }
0x138: {  	v12 =	vmul.f32 v28, v56;
	v6 =	vld [tilespmem:$0x1FEB0];
	_ =	sdelay $0x1  }
0x139: {  	v7 =	vadd.f32 v12, v7;
	v12 =	vmul.f32 v45, v39;
	_ =	sdelay $0x1  }
0x13a: {  	v22 =	vadd.f32 v12, v7;
	v7 =	vld [tilespmem:$0x1FED0]  }
0x13b: {  	v6 =	vmul.f32 v6, v4;
	v4 =	vld [tilespmem:$0x1FEC0];
	_ =	sdelay $0x4  }
0x13c: {  	v26 =	vmul.f32 v7, v4;
	v4 =	vld [tilespmem:$0x1FEE0]  }
0x13d: {  	v7 =	vld [tilespmem:$0x1FEF0];
	_ =	sdelay $0x1  }
0x13e: {  	v63 =	vld [tilespmem:s21+$0x8D0]  }
0x13f: {  	v53 =	vld [tilespmem:s21+$0x230]  }
0x140: {  	v40 =	vld [tilespmem:s21+$0x2AA0]  }
0x141: {  	v11 =	vadd.f32 v14, v11;
	v14 =	vmul.f32 v7, v4;
	v4 =	vld [tilespmem:$0x1FF00]  }
0x142: {  	v7 =	vld [tilespmem:$0x1FF10]  }
0x143: {  	v48 =	vld [tilespmem:s21+$0x2B0]  }
0x144: {  	v49 =	vld [tilespmem:s21+$0x2B10]  }
0x145: {  	v54 =	vld [tilespmem:s21+$0x2A40]  }
0x146: {  	v46 =	vld [tilespmem:s21+$0x2AB0]  }
0x147: {  	v18 =	vadd.f32 v38, v15;
	v15 =	vmul.f32 v7, v4;
	v4 =	vld [tilespmem:$0x1FF20]  }
0x148: {  	v7 =	vld [tilespmem:$0x1FF30]  }
0x149: {  	v47 =	vld [tilespmem:s21+$0x2B00]  }
0x14a: {  	v41 =	vld [tilespmem:s21+$0x2900]  }
0x14b: {  	v33 =	vld [tilespmem:s21+$0x2A00]  }
0x14c: {  	v12 =	vld [tilespmem:$0x1FF50]  }
0x14d: {  	v7 =	vmul.f32 v7, v4;
	v4 =	vld [tilespmem:$0x1FF40]  }
0x14e: {  	(xrf2) =	vadd.scan.msk.f32 $0xffff, v17;
	v17 =	vld [tilespmem:s21+$0x180]  }
0x14f: {  	v60 =	vld [tilespmem:s21+$0x140]  }
0x150: {  	v37 =	vld [tilespmem:s21+$0x310]  }
0x151: {  	v26 =	vadd.f32 v26, v22;
	v22 =	vld [tilespmem:$0x1FF70]  }
0x152: {  	v12 =	vmul.f32 v12, v4;
	v4 =	vld [tilespmem:$0x1FF60]  }
0x153: {  	v58 =	vld [tilespmem:s21+$0x2950]  }
0x154: {  	v57 =	vld [tilespmem:s21+$0x2A0]  }
0x155: {  	v23 =	vld [tilespmem:s21+$0x300]  }
0x156: {  	v38 =	vadd.f32 v10, v11;
	v11 =	vld [tilespmem:$0x1FF90]  }
0x157: {  	v22 =	vmul.f32 v22, v4;
	v4 =	vld [tilespmem:$0x1FF80]  }
0x158: {  	v20 =	vld [tilespmem:s21+$0x220]  }
0x159: {  	v50 =	vld [tilespmem:s21+$0x2A20]  }
0x15a: {  	v30 =	vld [tilespmem:s21+$0x280]  }
0x15b: {  	v10 =	vadd.f32 v15, v14;
	v14 =	vld [tilespmem:$0x1FFB0]  }
0x15c: {  	v11 =	vmul.f32 v11, v4;
	v4 =	vld [tilespmem:$0x1FFA0]  }
0x15d: {  	(xrf2) =	vadd.scan.msk.f32 $0xffff, v25;
	v25 =	vld [tilespmem:s21+$0x190]  }
0x15e: {  	v29 =	vld [tilespmem:s21+$0x2A90]  }
0x15f: {  	[tilespmem:$0x1FC10] =	vst v0;
	v0 =	vld [tilespmem:s21+$0x2A30]  }
0x160: {  	v43 =	vld [tilespmem:s21+$0x120]  }
0x161: {  	v15 =	vmul.f32 v14, v4;
	v4 =	vld [tilespmem:$0x1FFC0]  }
0x162: {  	v5 =	vld [tilespmem:s21+$0x130]  }
0x163: {  	v9 =	vld [tilespmem:s21+$0x2930]  }
0x164: {  	v16 =	vld [tilespmem:s21+$0x290]  }
0x165: {  	v61 =	vadd.f32 v24, v26;
	v24 =	vld [tilespmem:$0x1FFE0]  }
0x166: {  	v14 =	vmul.f32 v58, v4;
	v4 =	vld [tilespmem:$0x1FFD0]  }
0x167: {  	v62 =	vld [tilespmem:s21+$0x2A10]  }
0x168: {  	v55 =	vld [tilespmem:s21+$0x2A80]  }
0x169: {  	v56 =	vld [tilespmem:s21+$0x200]  }
0x16a: {  	v28 =	vld [tilespmem:s21+$0x210]  }
0x16b: {  	v24 =	vmul.f32 v24, v4;
	v4 =	vld [tilespmem:$0x1FFF0]  }
0x16c: {  	v29 =	vmul.f32 v29, v16;
	v42 =	vld [tilespmem:s21+$0x100];
	v19 =	vadd.f32 v19, v38  }
0x16d: {  	v39 =	vld [tilespmem:s21+$0x2920];
	v45 =	vmul.f32 v40, v57;
	v30 =	vmul.f32 v55, v30  }
0x16e: {  	(xrf2) =	vadd.scan.msk.f32 $0xffff, v44;
	v44 =	vmul.f32 v33, v56;
	v38 =	vld [tilespmem:s21+$0x2910];
	v58 =	vadd.f32 v27, v61;
	v61 =	vadd.f32 v31, v19  }
0x16f: {  	v30 =	vadd.f32 v29, v30;
	v26 =	vld [tilespmem:s21+$0x110];
	v27 =	vmul.f32 v46, v48;
	v46 =	vmul.f32 v62, v28  }
0x170: {  	s22 =	simm.s32 $0x1;
	v19 =	vld [tilespmem:s21+$0x2980];
	v40 =	vadd.f32 v13, v58;
	v13 =	vadd.f32 v32, v61;
	v16 =	vmul.f32 v54, v4  }
.LBB2_3:
0x171: {  	_ = 	snop  }
0x172: {  	v30 =	vadd.f32 v45, v30;
	v44 =	vadd.f32 v46, v44;
	v20 =	vmul.f32 v50, v20  }
0x173: {  	v40 =	vadd.f32 v1, v40  }
0x174: {  	v27 =	vadd.f32 v27, v30;
	v1 =	vmul.f32 v0, v53;
	v20 =	vadd.f32 v20, v44;
	_ =	sdelay $0x1  }
0x175: {  	v24 =	vadd.f32 v24, v27;
	v4 =	vadd.f32 v1, v20  }
0x176: {  	v41 =	vmul.f32 v41, v42;
	v26 =	vmul.f32 v38, v26  }
0x177: {  	(xrf2) =	vadd.scan.msk.f32 $0xffff, v21;
	v20 =	vadd.f32 v22, v24;
	v16 =	vadd.f32 v16, v4;
	v4 =	vld [tilespmem:$0x1FBC0]  }
0x178: {  	v28, _, _ =	vpop (xrf2);
	(xrf2) =	vadd.scan.msk.f32 $0xffff, v18;
	v18 =	vadd.f32 v26, v41;
	v26 =	vmul.f32 v39, v43  }
0x179: {  	v48 =	vld [tilespmem:s21+$0x2990];
	v8 =	vadd.f32 v8, v20  }
0x17a: {  	v21 =	vld [tilespmem:s21+$0x1A0];
	v5 =	vmul.f32 v9, v5;
	v18 =	vadd.f32 v26, v18  }
0x17b: {  	v8 =	vadd.f32 v3, v8;
	v3 =	vld [tilespmem:$0x1FA80]  }
0x17c: {  	v5 =	vadd.f32 v5, v18;
	v18 =	vmul.f32 v4, v60;
	v4 =	vld [tilespmem:$0x1FAB0]  }
0x17d: {  	v54 =	vld [tilespmem:s21+$0x29B0]  }
0x17e: {  	v30 =	vld [tilespmem:s21+$0x1B0];
	v23 =	vmul.f32 v47, v23;
	v37 =	vmul.f32 v49, v37  }
0x17f: {  	v50 =	vld [tilespmem:s21+$0x29A0]  }
0x180: {  	v17 =	vmul.f32 v19, v17;
	v9 =	vld [tilespmem:s21+$0x29C0];
	v19 =	vmul.f32 v48, v25;
	v23 =	vadd.f32 v37, v23  }
0x181: {  	v25 =	vld [tilespmem:s21+$0x1C0];
	v15 =	vadd.f32 v15, v16;
	v5 =	vadd.f32 v18, v5;
	v18 =	vmul.f32 v4, v3  }
0x182: {  	v4 =	vld [tilespmem:$0x1F920]  }
0x183: {  	v12 =	vadd.f32 v12, v15;
	v15 =	vadd.f32 v18, v23;
	v18 =	vld [tilespmem:$0x1F930]  }
0x184: {  	v0, _, _ =	vpop (xrf2);
	(xrf2) =	vadd.scan.msk.f32 $0xffff, v13;
	v13 =	vadd.f32 v19, v17;
	v19 =	vld [tilespmem:s21+$0x1D0];
	v17 =	vmul.f32 v50, v21  }
0x185: {  	v21 =	vld [tilespmem:s21+$0x29D0]  }
0x186: {  	v13 =	vadd.f32 v17, v13;
	v17 =	vmul.f32 v54, v30;
	_ =	sdelay $0x1  }
0x187: {  	v9 =	vmul.f32 v9, v25;
	v22 =	vadd.f32 v17, v13;
	v18 =	vmul.f32 v18, v4  }
0x188: {  	v1, _, _ =	vpop (xrf2);
	(xrf2) =	vadd.scan.msk.f32 $0xffff, v40;
	v5 =	vadd.f32 v14, v5;
	v4 =	vld [tilespmem:$0x1F900]  }
0x189: {  	v3, _, _ =	vpop (xrf2);
	(xrf2) =	vadd.scan.msk.f32 $0xffff, v8;
	v8 =	vadd.f32 v9, v22;
	v9 =	vmul.f32 v21, v19;
	v19 =	vadd.f32 v18, v15;
	v15 =	vld [tilespmem:$0x1F910];
	_ =	sdelay $0x1  }
0x18a: {  	v2 =	vadd.f32 v2, v12;
	v5 =	vadd.f32 v11, v5;
	_ =	sdelay $0x1  }
0x18b: {  	v13, _, _ =	vpop (xrf2);
	(xrf2) =	vadd.scan.msk.f32 $0xffff, v2;
	v2 =	vadd.f32 v7, v5;
	v7 =	vld [tilespmem:$0x1F8F0]  }
0x18c: {  	v15 =	vmul.f32 v15, v4;
	v4 =	vld [tilespmem:$0x1F8E0];
	_ =	sdelay $0x4  }
0x18d: {  	v7 =	vmul.f32 v7, v4;
	v4 =	vld [tilespmem:$0x1FDF0];
	_ =	sdelay $0x1  }
0x18e: {  	v20 =	vld [tilespmem:s21+$0x1E0]  }
0x18f: {  	v6 =	vadd.f32 v6, v10;
	v16 =	vld [tilespmem:s21+$0x29E0]  }
0x190: {  	v12 =	vld [tilespmem:s21+$0x2B60]  }
0x191: {  	v6 =	vadd.f32 v4, v6;
	v4 =	vld [tilespmem:$0x1F8D0]  }
0x192: {  	v17 =	vld [tilespmem:s21+$0x1F0]  }
0x193: {  	v14 =	vld [tilespmem:s21+$0x29F0]  }
0x194: {  	v5 =	vadd.f32 v15, v19  }
0x195: {  	v8 =	vadd.f32 v9, v8  }
0x196: {  	v9 =	vmul.f32 v16, v20;
	v5 =	vadd.f32 v7, v5;
	v7 =	vmul.f32 v12, v4;
	v4 =	vld [tilespmem:$0x1FD60];
	_ =	sdelay $0x1  }
0x197: {  	v8 =	vadd.f32 v9, v8;
	v9 =	vmul.f32 v14, v17;
	_ =	sdelay $0x1  }
0x198: {  	v11, _, _ =	vpop (xrf2);
	(xrf2) =	vadd.scan.msk.f32 $0xffff, v2;
	v2 =	vadd.f32 v9, v8;
	v8 =	vld [tilespmem:$0x1F8C0]  }
0x199: {  	v15 =	vadd.f32 v34, v4;
	v4 =	vld [tilespmem:$0x1F8B0];
	_ =	sdelay $0x4  }
0x19a: {  	v8 =	vmul.f32 v8, v4;
	v4 =	vld [tilespmem:$0x1FC10];
	_ =	sdelay $0x3  }
0x19b: {  	v10 =	vld [tilespmem:s21+$0x2CE0]  }
0x19c: {  	v15 =	vadd.f32 v4, v15;
	v4 =	vld [tilespmem:$0x1F8A0]  }
0x19d: {  	v16 =	vld [tilespmem:s21+$0x2B70]  }
0x19e: {  	v18 =	vld [tilespmem:s21+$0x370]  }
0x19f: {  	v6 =	vadd.f32 v36, v6;
	_ =	sdelay $0x1  }
0x1a0: {  	v6 =	vadd.f32 v8, v6;
	v8 =	vmul.f32 v10, v4;
	v4 =	vld [tilespmem:$0x1FB70];
	_ =	sdelay $0x1  }
0x1a1: {  	v5 =	vadd.f32 v7, v5;
	v7 =	vmul.f32 v16, v18;
	_ =	sdelay $0x1  }
0x1a2: {  	v17, _, _ =	vpop (xrf2);
	(xrf2) =	vadd.scan.msk.f32 $0xffff, v2;
	v2 =	vadd.f32 v7, v5;
	v7 =	vld [tilespmem:$0x1F890]  }
0x1a3: {  	v18 =	vadd.f32 v35, v4;
	v4 =	vld [tilespmem:$0x1F880];
	_ =	sdelay $0x2  }
0x1a4: {  	v14 =	vld [tilespmem:s21+$0x4F0]  }
0x1a5: {  	v12 =	vld [tilespmem:s21+$0x2CF0]  }
0x1a6: {  	v7 =	vmul.f32 v7, v4;
	v4 =	vld [tilespmem:$0x1FA70];
	_ =	sdelay $0x3  }
0x1a7: {  	v9 =	vld [tilespmem:s21+$0x2E60]  }
0x1a8: {  	v6 =	vadd.f32 v8, v6;
	v8 =	vmul.f32 v12, v14;
	v12 =	vadd.f32 v4, v18;
	v4 =	vld [tilespmem:$0x1F870];
	_ =	sdelay $0x2  }
0x1a9: {  	v16 =	vld [tilespmem:s21+$0x670];
	v5 =	vadd.f32 v59, v15  }
0x1aa: {  	v15 =	vld [tilespmem:s21+$0x2FE0]  }
0x1ab: {  	v5 =	vadd.f32 v7, v5;
	v7 =	vmul.f32 v9, v4;
	v4 =	vld [tilespmem:$0x1F9A0]  }
0x1ac: {  	v10 =	vld [tilespmem:s21+$0x2E70]  }
0x1ad: {  	v19, _, _ =	vpop (xrf2);
	v14 =	vld [tilespmem:s21+$0x7F0]  }
0x1ae: {  	v9 =	vld [tilespmem:s21+$0x2FF0];
	(xrf2) =	vadd.scan.msk.f32 $0xffff, v2  }
0x1af: {  	v2 =	vadd.f32 v8, v6;
	v8 =	vld [tilespmem:$0x1F860]  }
0x1b0: {  	v18 =	vadd.f32 v4, v52;
	v4 =	vld [tilespmem:$0x1F850];
	_ =	sdelay $0x3  }
0x1b1: {  	v5 =	vadd.f32 v7, v5;
	v7 =	vmul.f32 v10, v16;
	v10 =	vld [tilespmem:$0x1F830]  }
0x1b2: {  	v8 =	vmul.f32 v8, v4;
	v4 =	vld [tilespmem:$0x1F820];
	_ =	sdelay $0x4  }
0x1b3: {  	v10 =	vmul.f32 v10, v4;
	v4 =	vld [tilespmem:$0x1F840];
	_ =	sdelay $0x2  }
0x1b4: {  	v6 =	vadd.f32 v51, v12;
	_ =	sdelay $0x1  }
0x1b5: {  	v6 =	vadd.f32 v8, v6;
	v8 =	vmul.f32 v15, v4;
	v4 =	vld [tilespmem:$0x1F950];
	_ =	sdelay $0x4  }
0x1b6: {  	v15 =	vadd.f32 v4, v18;
	v4 =	vld [tilespmem:$0x1F810]  }
0x1b7: {  	v12 =	vld [tilespmem:s21+$0x8E0]  }
0x1b8: {  	v16 =	vld [tilespmem:s21+$0x30E0]  }
0x1b9: {  	v20, _, _ =	vpop (xrf2);
	(xrf2) =	vadd.scan.msk.f32 $0xffff, v2;
	v2 =	vadd.f32 v7, v5;
	v7 =	vld [tilespmem:s21+$0x30F0]  }
0x1ba: {  	v6 =	vadd.f32 v8, v6;
	v18 =	vld [tilespmem:s21+$0x8F0]  }
0x1bb: {  	v5 =	vmul.f32 v4, v63;
	v4 =	vmul.f32 v9, v14;
	v9 =	vadd.f32 v10, v15  }
0x1bc: {  	v21, _, _ =	vpop (xrf2);
	(xrf2) =	vadd.scan.msk.f32 $0xffff, v2  }
0x1bd: {  	v8, _, _ =	vpop (xrf2);
	v2 =	vadd.f32 v4, v6;
	v5 =	vadd.f32 v5, v9;
	v6 =	vmul.f32 v16, v12  }
0x1be: {  	v9 =	vbroadcast v21, $0xF;
	v4 =	vbroadcast v8, $0xF  }
0x1bf: {  	v10 =	vbroadcast v20, $0xF;
	v5 =	vadd.f32 v6, v5;
	v6 =	vmul.f32 v7, v18;
	(xrf2) =	vadd.scan.msk.f32 $0xffff, v2  }
0x1c0: {  	v8, _, _ =	vpop (xrf2);
	v2 =	vsel vm0, v9, v4;
	v7 =	vbroadcast v19, $0xF  }
0x1c1: {  	v4 =	vbroadcast v8, $0xF;
	v2 =	vsel vm1, v2, v10;
	v5 =	vadd.f32 v6, v5  }
0x1c2: {  	v2 =	vsel vm2, v2, v7;
	v6 =	vbroadcast v17, $0xF  }
0x1c3: {  	v8, _, _ =	vpop (xrf2);
	v7 =	vbroadcast v11, $0xF;
	v2 =	vsel vm3, v2, v4;
	(xrf2) =	vadd.scan.msk.f32 $0xffff, v5  }
0x1c4: {  	v4 =	vbroadcast v8, $0xF;
	v2 =	vsel vm4, v2, v6  }
0x1c5: {  	v6 =	vbroadcast v13, $0xF;
	v2 =	vsel vm5, v2, v7  }
0x1c6: {  	v2 =	vsel vm6, v2, v4;
	v4 =	vbroadcast v3, $0xF;
	v5, _, _ =	vpop (xrf2)  }
0x1c7: {  	v2 =	vsel vm7, v2, v6;
	v5 =	vbroadcast v5, $0xF  }
0x1c8: {  	v1 =	vbroadcast v1, $0xF;
	v2 =	vsel vm8, v2, v4  }
0x1c9: {  	v0 =	vbroadcast v0, $0xF;
	v2 =	vsel vm9, v2, v5;
	v3, _, _ =	vpop (xrf2)  }
0x1ca: {  	v1 =	vsel vm10, v2, v1;
	v2 =	vbroadcast v3, $0xF  }
0x1cb: {  	v0 =	vsel vm11, v1, v0;
	v3 =	vbroadcast v28, $0xF  }
0x1cc: {  	v0 =	vsel vm12, v0, v2  }
0x1cd: {  	v0 =	vsel vm13, v0, v3;
	v1, _, _ =	vpop (xrf2)  }
0x1ce: {  	v0 =	vsel vm14, v0, v1  }
0x1cf: {  	v0 =	vsub.f32 $0.0e+00, v0;
	_ =	sdelay $0x1  }
0x1d0: {  	v0 =	vmul.f32 $1.442695020e+00, v0;
	_ =	sdelay $0x1  }
0x1d1: {  	(erf) = vpow2.f32 v0;
	_ =	sdelay $0x8  }
0x1d2: {  	v0 =	vpop (erf)  }
0x1d3: {  	v0 =	vadd.f32 $1.000000000e+00, v0;
	_ =	sdelay $0x1  }
0x1d4: {  	(erf) = vrcp.f32 v0;
	_ =	sdelay $0x7  }
0x1d5: {  	s31 =	sshll.u32 s20, $0x4  }
0x1d6: {  	s23 =	sand.u32 $0x3FFFFFF0, s31;
	v0 =	vpop (erf)  }
0x1d7: {  	s21 =	sshll.u32 s22, $0xB;
	[tilespmem:s23+$0x5100] =	vst v0  }
0x1d8: {  	v0 =	vld [tilespmem:s21+$0x8D0];
	_ =	sdelay $0x4  }
0x1d9: {  	[tilespmem:$0x1F7F0] =	vst v0;
	v0 =	vld [tilespmem:s21+$0x30D0];
	_ =	sdelay $0x4  }
0x1da: {  	[tilespmem:$0x1F810] =	vst v0;
	v0 =	vld [tilespmem:s21+$0x8C0];
	_ =	sdelay $0x4  }
0x1db: {  	[tilespmem:$0x1F820] =	vst v0;
	v0 =	vld [tilespmem:s21+$0x30C0];
	_ =	sdelay $0x4  }
0x1dc: {  	[tilespmem:$0x1F830] =	vst v0;
	v0 =	vld [tilespmem:s21+$0x7E0];
	_ =	sdelay $0x4  }
0x1dd: {  	[tilespmem:$0x1F840] =	vst v0;
	v0 =	vld [tilespmem:s21+$0x7D0];
	_ =	sdelay $0x4  }
0x1de: {  	[tilespmem:$0x1F850] =	vst v0;
	v0 =	vld [tilespmem:s21+$0x2FD0];
	_ =	sdelay $0x4  }
0x1df: {  	[tilespmem:$0x1F860] =	vst v0;
	v0 =	vld [tilespmem:s21+$0x30A0];
	_ =	sdelay $0x4  }
0x1e0: {  	[tilespmem:$0x1F170] =	vst v0;
	v0 =	vld [tilespmem:s21+$0x2EE0];
	_ =	sdelay $0x4  }
0x1e1: {  	[tilespmem:$0x1F180] =	vst v0;
	v0 =	vld [tilespmem:s21+$0x2F50];
	_ =	sdelay $0x4  }
0x1e2: {  	[tilespmem:$0x1F1B0] =	vst v0;
	v0 =	vld [tilespmem:s21+$0x7C0];
	_ =	sdelay $0x4  }
0x1e3: {  	[tilespmem:$0x1F1C0] =	vst v0;
	v0 =	vld [tilespmem:s21+$0x2FC0];
	_ =	sdelay $0x4  }
0x1e4: {  	[tilespmem:$0x1F1D0] =	vst v0;
	v0 =	vld [tilespmem:s21+$0x830];
	_ =	sdelay $0x4  }
0x1e5: {  	[tilespmem:$0x1F190] =	vst v0;
	v0 =	vld [tilespmem:s21+$0x3030];
	_ =	sdelay $0x4  }
0x1e6: {  	[tilespmem:$0x1F1A0] =	vst v0;
	v0 =	vld [tilespmem:s21+$0x880];
	_ =	sdelay $0x4  }
0x1e7: {  	[tilespmem:$0x1F1E0] =	vst v0;
	v0 =	vld [tilespmem:s21+$0x3080];
	_ =	sdelay $0x4  }
0x1e8: {  	[tilespmem:$0x1F1F0] =	vst v0;
	v0 =	vld [tilespmem:s21+$0x890];
	_ =	sdelay $0x4  }
0x1e9: {  	[tilespmem:$0x1F200] =	vst v0;
	v0 =	vld [tilespmem:s21+$0x3090];
	_ =	sdelay $0x4  }
0x1ea: {  	[tilespmem:$0x1F210] =	vst v0;
	v0 =	vld [tilespmem:s21+$0x5F0];
	_ =	sdelay $0x4  }
0x1eb: {  	[tilespmem:$0x1F220] =	vst v0;
	v0 =	vld [tilespmem:s21+$0x2DF0];
	_ =	sdelay $0x4  }
0x1ec: {  	[tilespmem:$0x1F230] =	vst v0;
	v0 =	vld [tilespmem:s21+$0x660];
	_ =	sdelay $0x4  }
0x1ed: {  	[tilespmem:$0x1F870] =	vst v0;
	v0 =	vld [tilespmem:s21+$0x6D0];
	_ =	sdelay $0x4  }
0x1ee: {  	[tilespmem:$0x1F240] =	vst v0;
	v0 =	vld [tilespmem:s21+$0x2ED0];
	_ =	sdelay $0x4  }
0x1ef: {  	[tilespmem:$0x1F250] =	vst v0;
	v0 =	vld [tilespmem:s21+$0x740];
	_ =	sdelay $0x4  }
0x1f0: {  	[tilespmem:$0x1F260] =	vst v0;
	v0 =	vld [tilespmem:s21+$0x2F40];
	_ =	sdelay $0x4  }
0x1f1: {  	[tilespmem:$0x1F270] =	vst v0;
	v0 =	vld [tilespmem:s21+$0x7B0];
	_ =	sdelay $0x4  }
0x1f2: {  	[tilespmem:$0x1F280] =	vst v0;
	v0 =	vld [tilespmem:s21+$0x2FB0];
	_ =	sdelay $0x4  }
0x1f3: {  	[tilespmem:$0x1F290] =	vst v0;
	v0 =	vld [tilespmem:s21+$0x570];
	_ =	sdelay $0x4  }
0x1f4: {  	[tilespmem:$0x1F2A0] =	vst v0;
	v0 =	vld [tilespmem:s21+$0x2D70];
	_ =	sdelay $0x4  }
0x1f5: {  	[tilespmem:$0x1F2B0] =	vst v0;
	v0 =	vld [tilespmem:s21+$0x5E0];
	_ =	sdelay $0x4  }
0x1f6: {  	[tilespmem:$0x1F2C0] =	vst v0;
	v0 =	vld [tilespmem:s21+$0x2DE0];
	_ =	sdelay $0x4  }
0x1f7: {  	[tilespmem:$0x1F2D0] =	vst v0;
	v0 =	vld [tilespmem:s21+$0x650];
	_ =	sdelay $0x4  }
0x1f8: {  	[tilespmem:$0x1F880] =	vst v0;
	v0 =	vld [tilespmem:s21+$0x2E50];
	_ =	sdelay $0x4  }
0x1f9: {  	[tilespmem:$0x1F890] =	vst v0;
	v0 =	vld [tilespmem:s21+$0x6C0];
	_ =	sdelay $0x4  }
0x1fa: {  	[tilespmem:$0x1F2E0] =	vst v0;
	v0 =	vld [tilespmem:s21+$0x2EC0];
	_ =	sdelay $0x4  }
0x1fb: {  	[tilespmem:$0x1F2F0] =	vst v0;
	v0 =	vld [tilespmem:s21+$0x730];
	_ =	sdelay $0x4  }
0x1fc: {  	[tilespmem:$0x1F300] =	vst v0;
	v0 =	vld [tilespmem:s21+$0x7A0];
	_ =	sdelay $0x4  }
0x1fd: {  	[tilespmem:$0x1F320] =	vst v0;
	v0 =	vld [tilespmem:s21+$0x2FA0];
	_ =	sdelay $0x4  }
0x1fe: {  	[tilespmem:$0x1F330] =	vst v0;
	v0 =	vld [tilespmem:s21+$0x560];
	_ =	sdelay $0x4  }
0x1ff: {  	[tilespmem:$0x1F340] =	vst v0;
	v0 =	vld [tilespmem:s21+$0x2D60];
	_ =	sdelay $0x4  }
0x200: {  	[tilespmem:$0x1F350] =	vst v0;
	v0 =	vld [tilespmem:s21+$0x5D0];
	_ =	sdelay $0x4  }
0x201: {  	[tilespmem:$0x1F3C0] =	vst v0;
	v0 =	vld [tilespmem:s21+$0x2DD0];
	_ =	sdelay $0x4  }
0x202: {  	[tilespmem:$0x1F3D0] =	vst v0;
	v0 =	vld [tilespmem:s21+$0x640];
	_ =	sdelay $0x4  }
0x203: {  	[tilespmem:$0x1F3E0] =	vst v0;
	v0 =	vld [tilespmem:s21+$0x2E40];
	_ =	sdelay $0x4  }
0x204: {  	[tilespmem:$0x1F3F0] =	vst v0;
	v0 =	vld [tilespmem:s21+$0x6B0];
	_ =	sdelay $0x4  }
0x205: {  	[tilespmem:$0x1F360] =	vst v0;
	v0 =	vld [tilespmem:s21+$0x2EB0];
	_ =	sdelay $0x4  }
0x206: {  	[tilespmem:$0x1F370] =	vst v0;
	v0 =	vld [tilespmem:s21+$0x720];
	_ =	sdelay $0x4  }
0x207: {  	[tilespmem:$0x1F310] =	vst v0;
	v0 =	vld [tilespmem:s21+$0x780];
	_ =	sdelay $0x4  }
0x208: {  	[tilespmem:$0x1F380] =	vst v0;
	v0 =	vld [tilespmem:s21+$0x2F80];
	_ =	sdelay $0x4  }
0x209: {  	[tilespmem:$0x1F390] =	vst v0;
	v0 =	vld [tilespmem:s21+$0x790];
	_ =	sdelay $0x4  }
0x20a: {  	[tilespmem:$0x1F3A0] =	vst v0;
	v0 =	vld [tilespmem:s21+$0x2F90];
	_ =	sdelay $0x4  }
0x20b: {  	[tilespmem:$0x1F3B0] =	vst v0;
	v0 =	vld [tilespmem:s21+$0x470];
	_ =	sdelay $0x4  }
0x20c: {  	[tilespmem:$0x1F400] =	vst v0;
	v0 =	vld [tilespmem:s21+$0x2C70];
	_ =	sdelay $0x4  }
0x20d: {  	[tilespmem:$0x1F410] =	vst v0;
	v0 =	vld [tilespmem:s21+$0x4E0];
	_ =	sdelay $0x4  }
0x20e: {  	[tilespmem:$0x1F8A0] =	vst v0;
	v0 =	vld [tilespmem:s21+$0x550];
	_ =	sdelay $0x4  }
0x20f: {  	[tilespmem:$0x1F420] =	vst v0;
	v0 =	vld [tilespmem:s21+$0x2D50];
	_ =	sdelay $0x4  }
0x210: {  	[tilespmem:$0x1F430] =	vst v0;
	v0 =	vld [tilespmem:s21+$0x5C0];
	_ =	sdelay $0x4  }
0x211: {  	[tilespmem:$0x1F440] =	vst v0;
	v0 =	vld [tilespmem:s21+$0x2DC0];
	_ =	sdelay $0x4  }
0x212: {  	[tilespmem:$0x1F450] =	vst v0;
	v0 =	vld [tilespmem:s21+$0x630];
	_ =	sdelay $0x4  }
0x213: {  	[tilespmem:$0x1F480] =	vst v0;
	v0 =	vld [tilespmem:s21+$0x2E30];
	_ =	sdelay $0x4  }
0x214: {  	[tilespmem:$0x1F490] =	vst v0;
	v0 =	vld [tilespmem:s21+$0x3F0];
	_ =	sdelay $0x4  }
0x215: {  	[tilespmem:$0x1F460] =	vst v0;
	v0 =	vld [tilespmem:s21+$0x2BF0];
	_ =	sdelay $0x4  }
0x216: {  	[tilespmem:$0x1F470] =	vst v0;
	v0 =	vld [tilespmem:s21+$0x460];
	_ =	sdelay $0x4  }
0x217: {  	[tilespmem:$0x1F4A0] =	vst v0;
	v0 =	vld [tilespmem:s21+$0x2C60];
	_ =	sdelay $0x4  }
0x218: {  	[tilespmem:$0x1F4B0] =	vst v0;
	v0 =	vld [tilespmem:s21+$0x4D0];
	_ =	sdelay $0x4  }
0x219: {  	[tilespmem:$0x1F8B0] =	vst v0;
	v0 =	vld [tilespmem:s21+$0x2CD0];
	_ =	sdelay $0x4  }
0x21a: {  	[tilespmem:$0x1F8C0] =	vst v0;
	v0 =	vld [tilespmem:s21+$0x540];
	_ =	sdelay $0x4  }
0x21b: {  	[tilespmem:$0x1F4C0] =	vst v0;
	v0 =	vld [tilespmem:s21+$0x2D40];
	_ =	sdelay $0x4  }
0x21c: {  	[tilespmem:$0x1F4D0] =	vst v0;
	v0 =	vld [tilespmem:s21+$0x5B0];
	_ =	sdelay $0x4  }
0x21d: {  	[tilespmem:$0x1F4E0] =	vst v0;
	v0 =	vld [tilespmem:s21+$0x2DB0];
	_ =	sdelay $0x4  }
0x21e: {  	[tilespmem:$0x1F4F0] =	vst v0;
	v0 =	vld [tilespmem:s21+$0x620];
	_ =	sdelay $0x4  }
0x21f: {  	[tilespmem:$0x1F500] =	vst v0;
	v0 =	vld [tilespmem:s21+$0x2E20];
	_ =	sdelay $0x4  }
0x220: {  	[tilespmem:$0x1F510] =	vst v0;
	v0 =	vld [tilespmem:s21+$0x3E0];
	_ =	sdelay $0x4  }
0x221: {  	[tilespmem:$0x1F520] =	vst v0;
	v0 =	vld [tilespmem:s21+$0x2BE0];
	_ =	sdelay $0x4  }
0x222: {  	[tilespmem:$0x1F530] =	vst v0;
	v0 =	vld [tilespmem:s21+$0x450];
	_ =	sdelay $0x4  }
0x223: {  	[tilespmem:$0x1F580] =	vst v0;
	v0 =	vld [tilespmem:s21+$0x2C50];
	_ =	sdelay $0x4  }
0x224: {  	[tilespmem:$0x1F590] =	vst v0;
	v0 =	vld [tilespmem:s21+$0x4C0];
	_ =	sdelay $0x4  }
0x225: {  	[tilespmem:$0x1F5C0] =	vst v0;
	v0 =	vld [tilespmem:s21+$0x2CC0];
	_ =	sdelay $0x4  }
0x226: {  	[tilespmem:$0x1F5D0] =	vst v0;
	v0 =	vld [tilespmem:s21+$0x530];
	_ =	sdelay $0x4  }
0x227: {  	[tilespmem:$0x1F5A0] =	vst v0;
	v0 =	vld [tilespmem:s21+$0x2D30];
	_ =	sdelay $0x4  }
0x228: {  	[tilespmem:$0x1F5B0] =	vst v0;
	v0 =	vld [tilespmem:s21+$0x600];
	_ =	sdelay $0x4  }
0x229: {  	[tilespmem:$0x1F540] =	vst v0;
	v0 =	vld [tilespmem:s21+$0x2E00];
	_ =	sdelay $0x4  }
0x22a: {  	[tilespmem:$0x1F550] =	vst v0;
	v0 =	vld [tilespmem:s21+$0x610];
	_ =	sdelay $0x4  }
0x22b: {  	[tilespmem:$0x1F560] =	vst v0;
	v0 =	vld [tilespmem:s21+$0x2E10];
	_ =	sdelay $0x4  }
0x22c: {  	[tilespmem:$0x1F570] =	vst v0;
	v0 =	vld [tilespmem:s21+$0x2F0];
	_ =	sdelay $0x4  }
0x22d: {  	[tilespmem:$0x1F5E0] =	vst v0;
	v0 =	vld [tilespmem:s21+$0x2AF0];
	_ =	sdelay $0x4  }
0x22e: {  	[tilespmem:$0x1F5F0] =	vst v0;
	v0 =	vld [tilespmem:s21+$0x360];
	_ =	sdelay $0x4  }
0x22f: {  	[tilespmem:$0x1F8D0] =	vst v0;
	v0 =	vld [tilespmem:s21+$0x3D0];
	_ =	sdelay $0x4  }
0x230: {  	[tilespmem:$0x1F600] =	vst v0;
	v0 =	vld [tilespmem:s21+$0x2BD0];
	_ =	sdelay $0x4  }
0x231: {  	[tilespmem:$0x1F610] =	vst v0;
	v0 =	vld [tilespmem:s21+$0x440];
	_ =	sdelay $0x4  }
0x232: {  	[tilespmem:$0x1F620] =	vst v0;
	v0 =	vld [tilespmem:s21+$0x2C40];
	_ =	sdelay $0x4  }
0x233: {  	[tilespmem:$0x1F630] =	vst v0;
	v0 =	vld [tilespmem:s21+$0x4B0];
	_ =	sdelay $0x4  }
0x234: {  	[tilespmem:$0x1F640] =	vst v0;
	v0 =	vld [tilespmem:s21+$0x2CB0];
	_ =	sdelay $0x4  }
0x235: {  	[tilespmem:$0x1F650] =	vst v0;
	v0 =	vld [tilespmem:s21+$0x270];
	_ =	sdelay $0x4  }
0x236: {  	[tilespmem:$0x1F660] =	vst v0;
	v0 =	vld [tilespmem:s21+$0x2E0];
	_ =	sdelay $0x4  }
0x237: {  	[tilespmem:$0x1F670] =	vst v0;
	v0 =	vld [tilespmem:s21+$0x350];
	_ =	sdelay $0x4  }
0x238: {  	[tilespmem:$0x1F8E0] =	vst v0;
	v0 =	vld [tilespmem:s21+$0x2B50];
	_ =	sdelay $0x4  }
0x239: {  	[tilespmem:$0x1F8F0] =	vst v0;
	v0 =	vld [tilespmem:s21+$0x3C0];
	_ =	sdelay $0x4  }
0x23a: {  	[tilespmem:$0x1F680] =	vst v0;
	v0 =	vld [tilespmem:s21+$0x2BC0];
	_ =	sdelay $0x4  }
0x23b: {  	[tilespmem:$0x1F690] =	vst v0;
	v0 =	vld [tilespmem:s21+$0x430];
	_ =	sdelay $0x4  }
0x23c: {  	[tilespmem:$0x1F6A0] =	vst v0;
	v0 =	vld [tilespmem:s21+$0x2C30];
	_ =	sdelay $0x4  }
0x23d: {  	[tilespmem:$0x1F6B0] =	vst v0;
	v0 =	vld [tilespmem:s21+$0x4A0];
	_ =	sdelay $0x4  }
0x23e: {  	[tilespmem:$0x1F6C0] =	vst v0;
	v0 =	vld [tilespmem:s21+$0x2CA0];
	_ =	sdelay $0x4  }
0x23f: {  	[tilespmem:$0x1F6D0] =	vst v0;
	v0 =	vld [tilespmem:s21+$0x170];
	_ =	sdelay $0x4  }
0x240: {  	[tilespmem:$0x1F710] =	vst v0;
	v0 =	vld [tilespmem:s21+$0x2970];
	_ =	sdelay $0x4  }
0x241: {  	[tilespmem:$0x1F720] =	vst v0;
	v0 =	vld [tilespmem:s21+$0x260];
	_ =	sdelay $0x4  }
0x242: {  	[tilespmem:$0x1F730] =	vst v0;
	v0 =	vld [tilespmem:s21+$0x2A60];
	_ =	sdelay $0x4  }
0x243: {  	[tilespmem:$0x1F740] =	vst v0;
	v0 =	vld [tilespmem:s21+$0x2D0];
	_ =	sdelay $0x4  }
0x244: {  	[tilespmem:$0x1F750] =	vst v0;
	v0 =	vld [tilespmem:s21+$0x2AD0];
	_ =	sdelay $0x4  }
0x245: {  	[tilespmem:$0x1F760] =	vst v0;
	v0 =	vld [tilespmem:s21+$0x340];
	_ =	sdelay $0x4  }
0x246: {  	[tilespmem:$0x1F900] =	vst v0;
	v0 =	vld [tilespmem:s21+$0x2B40];
	_ =	sdelay $0x4  }
0x247: {  	[tilespmem:$0x1F910] =	vst v0;
	v0 =	vld [tilespmem:s21+$0x3B0];
	_ =	sdelay $0x4  }
0x248: {  	[tilespmem:$0x1F6E0] =	vst v0;
	v0 =	vld [tilespmem:s21+$0x480];
	_ =	sdelay $0x4  }
0x249: {  	[tilespmem:$0x1F6F0] =	vst v0;
	v0 =	vld [tilespmem:s21+$0x2C80];
	_ =	sdelay $0x4  }
0x24a: {  	[tilespmem:$0x1F700] =	vst v0;
	v0 =	vld [tilespmem:s21+$0x160];
	_ =	sdelay $0x4  }
0x24b: {  	[tilespmem:$0x1F770] =	vst v0;
	v0 =	vld [tilespmem:s21+$0x2960];
	_ =	sdelay $0x4  }
0x24c: {  	[tilespmem:$0x1F780] =	vst v0;
	v0 =	vld [tilespmem:s21+$0x250];
	_ =	sdelay $0x4  }
0x24d: {  	[tilespmem:$0x1F790] =	vst v0;
	v0 =	vld [tilespmem:s21+$0x2A50];
	_ =	sdelay $0x4  }
0x24e: {  	[tilespmem:$0x1F7A0] =	vst v0;
	v0 =	vld [tilespmem:s21+$0x2C0];
	_ =	sdelay $0x4  }
0x24f: {  	[tilespmem:$0x1F7B0] =	vst v0;
	v0 =	vld [tilespmem:s21+$0x2AC0];
	_ =	sdelay $0x4  }
0x250: {  	[tilespmem:$0x1F7C0] =	vst v0;
	v0 =	vld [tilespmem:s21+$0x330];
	_ =	sdelay $0x2  }
0x251: {  	v7 =	vld [tilespmem:s21+$0x8B0]  }
0x252: {  	v9 =	vld [tilespmem:s21+$0x30B0]  }
0x253: {  	[tilespmem:$0x1F920] =	vst v0;
	v0 =	vld [tilespmem:s21+$0x2B30];
	_ =	sdelay $0x3  }
0x254: {  	v1 =	vld [tilespmem:s21+$0x870]  }
0x255: {  	v2 =	vld [tilespmem:s21+$0x3070];
	[tilespmem:$0x1F930] =	vst v0;
	v0 =	vmul.f32 v9, v7  }
0x256: {  	v57 =	vld [tilespmem:s21+$0x8A0]  }
0x257: {  	[tilespmem:$0x1F950] =	vst v0;
	v0 =	vld [tilespmem:$0x1F170]  }
0x258: {  	v6 =	vld [tilespmem:s21+$0x770]  }
0x259: {  	v8 =	vld [tilespmem:s21+$0x2F70]  }
0x25a: {  	v60 =	vld [tilespmem:s21+$0x6E0]  }
0x25b: {  	v45 =	vld [tilespmem:s21+$0x800]  }
0x25c: {  	v14 =	vld [tilespmem:s21+$0x3000];
	v0 =	vmul.f32 v0, v57  }
0x25d: {  	v48 =	vld [tilespmem:s21+$0x810]  }
0x25e: {  	[tilespmem:$0x1F9A0] =	vst v0;
	v0 =	vld [tilespmem:$0x1F180]  }
0x25f: {  	v63 =	vld [tilespmem:s21+$0x3010]  }
0x260: {  	v13 =	vld [tilespmem:s21+$0x820]  }
0x261: {  	v27 =	vld [tilespmem:s21+$0x3020]  }
0x262: {  	v40 =	vmul.f32 v2, v1;
	v1 =	vld [tilespmem:$0x1F1A0]  }
0x263: {  	v12 =	vmul.f32 v8, v6;
	v8 =	vmul.f32 v0, v60;
	v0 =	vld [tilespmem:$0x1F190]  }
0x264: {  	v14 =	vmul.f32 v14, v45;
	v55 =	vmul.f32 v63, v48;
	_ =	sdelay $0x1  }
0x265: {  	v13 =	vmul.f32 v27, v13;
	v14 =	vadd.f32 v55, v14  }
0x266: {  	v58 =	vld [tilespmem:s21+$0x750]  }
0x267: {  	v13 =	vadd.f32 v13, v14;
	v14 =	vmul.f32 v1, v0;
	v0 =	vld [tilespmem:$0x1F1B0];
	_ =	sdelay $0x3  }
0x268: {  	v1 =	vld [tilespmem:$0x1F1D0]  }
0x269: {  	v7 =	vmul.f32 v0, v58;
	v0 =	vld [tilespmem:$0x1F1C0];
	_ =	sdelay $0x4  }
0x26a: {  	v0 =	vmul.f32 v1, v0  }
0x26b: {  	v1 =	vld [tilespmem:$0x1F1F0]  }
0x26c: {  	[tilespmem:$0x1F800] =	vst v0;
	v0 =	vld [tilespmem:$0x1F1E0];
	_ =	sdelay $0x2  }
0x26d: {  	v4 =	vld [tilespmem:s21+$0x860]  }
0x26e: {  	v5 =	vld [tilespmem:s21+$0x3060]  }
0x26f: {  	v2 =	vmul.f32 v1, v0;
	v0 =	vld [tilespmem:$0x1F200]  }
0x270: {  	v1 =	vld [tilespmem:$0x1F210];
	_ =	sdelay $0x3  }
0x271: {  	v53 =	vmul.f32 v5, v4;
	v4 =	vld [tilespmem:$0x1F230]  }
0x272: {  	v1 =	vmul.f32 v1, v0;
	v0 =	vld [tilespmem:$0x1F220];
	_ =	sdelay $0x4  }
0x273: {  	v58 =	vmul.f32 v4, v0;
	v0 =	vld [tilespmem:$0x1F240]  }
0x274: {  	v4 =	vld [tilespmem:$0x1F250];
	_ =	sdelay $0x4  }
0x275: {  	v6 =	vmul.f32 v4, v0;
	v0 =	vld [tilespmem:s21+$0x240];
	_ =	sdelay $0x3  }
0x276: {  	v4 =	vld [tilespmem:$0x1F270]  }
0x277: {  	[tilespmem:$0x1F7D0] =	vst v0;
	v0 =	vld [tilespmem:$0x1F260];
	_ =	sdelay $0x4  }
0x278: {  	v5 =	vmul.f32 v4, v0;
	v0 =	vld [tilespmem:$0x1F280]  }
0x279: {  	v4 =	vld [tilespmem:$0x1F290];
	_ =	sdelay $0x2  }
0x27a: {  	v10 =	vld [tilespmem:s21+$0x850]  }
0x27b: {  	v19 =	vld [tilespmem:s21+$0x3050]  }
0x27c: {  	v0 =	vmul.f32 v4, v0;
	v4 =	vld [tilespmem:s21+$0x2A40];
	_ =	sdelay $0x1  }
0x27d: {  	v54 =	vld [tilespmem:s21+$0x840]  }
0x27e: {  	v56 =	vld [tilespmem:s21+$0x3040]  }
0x27f: {  	v30 =	vmul.f32 v19, v10;
	v10 =	vld [tilespmem:$0x1F2B0]  }
0x280: {  	[tilespmem:$0x1F7E0] =	vst v4;
	v4 =	vld [tilespmem:$0x1F2A0];
	_ =	sdelay $0x1  }
0x281: {  	v11 =	vld [tilespmem:s21+$0x6F0]  }
0x282: {  	v44 =	vld [tilespmem:s21+$0x2EF0]  }
0x283: {  	v38 =	vld [tilespmem:s21+$0x760]  }
0x284: {  	v27 =	vmul.f32 v56, v54;
	v56 =	vmul.f32 v10, v4;
	v4 =	vld [tilespmem:$0x1F2C0]  }
0x285: {  	v10 =	vld [tilespmem:$0x1F2D0]  }
0x286: {  	v52 =	vld [tilespmem:s21+$0x2F60]  }
0x287: {  	v3 =	vld [tilespmem:s21+$0x2F30];
	v13 =	vadd.f32 v14, v13  }
0x288: {  	v36 =	vld [tilespmem:s21+$0x2F20]  }
0x289: {  	[tilespmem:$0x1FA70] =	vst v0;
	v0 =	vadd.f32 v27, v13;
	v13 =	vld [tilespmem:$0x1F2F0]  }
0x28a: {  	v10 =	vmul.f32 v10, v4;
	v4 =	vld [tilespmem:$0x1F2E0]  }
0x28b: {  	v62 =	vld [tilespmem:s21+$0x6A0]  }
0x28c: {  	v31 =	vld [tilespmem:s21+$0x2EA0]  }
0x28d: {  	v61 =	vld [tilespmem:s21+$0x700]  }
0x28e: {  	v33 =	vld [tilespmem:s21+$0x2F00]  }
0x28f: {  	v4 =	vmul.f32 v13, v4;
	v13 =	vld [tilespmem:$0x1F300]  }
0x290: {  	v29 =	vld [tilespmem:s21+$0x710]  }
0x291: {  	v28 =	vld [tilespmem:s21+$0x2F10]  }
0x292: {  	v23 =	vld [tilespmem:s21+$0x680]  }
0x293: {  	v22 =	vld [tilespmem:s21+$0x2E80]  }
0x294: {  	v3 =	vmul.f32 v3, v13;
	v13 =	vld [tilespmem:s21+$0x2B20]  }
0x295: {  	v21 =	vld [tilespmem:s21+$0x690]  }
0x296: {  	v15 =	vld [tilespmem:s21+$0x2E90]  }
0x297: {  	v59 =	vld [tilespmem:s21+$0x5A0]  }
0x298: {  	v48 =	vadd.f32 v1, v2;
	v1 =	vld [tilespmem:s21+$0x320]  }
0x299: {  	[tilespmem:$0x1FAB0] =	vst v13;
	v13 =	vld [tilespmem:$0x1F310]  }
0x29a: {  	v32 =	vld [tilespmem:s21+$0x2DA0]  }
0x29b: {  	v34 =	vld [tilespmem:s21+$0x520]  }
0x29c: {  	v50 =	vld [tilespmem:s21+$0x2D20]  }
0x29d: {  	v2 =	vmul.f32 v15, v21;
	v15 =	vld [tilespmem:$0x1F330]  }
0x29e: {  	[tilespmem:$0x1FA80] =	vst v1;
	v1 =	vmul.f32 v22, v23;
	v22 =	vmul.f32 v36, v13;
	v13 =	vld [tilespmem:$0x1F320]  }
0x29f: {  	v20 =	vld [tilespmem:s21+$0x580];
	v0 =	vadd.f32 v30, v0  }
0x2a0: {  	v51 =	vld [tilespmem:s21+$0x2D80]  }
0x2a1: {  	v47 =	vld [tilespmem:s21+$0x590];
	v0 =	vadd.f32 v53, v0  }
0x2a2: {  	v18 =	vld [tilespmem:s21+$0x2D90]  }
0x2a3: {  	v27 =	vmul.f32 v15, v13;
	v15 =	vadd.f32 v40, v0;
	v0 =	vld [tilespmem:$0x1F340]  }
0x2a4: {  	v13 =	vld [tilespmem:$0x1F350]  }
0x2a5: {  	v43 =	vld [tilespmem:s21+$0x2A70]  }
0x2a6: {  	v35 =	vld [tilespmem:s21+$0x2AE0]  }
0x2a7: {  	v17 =	vld [tilespmem:s21+$0x500]  }
0x2a8: {  	v49 =	vld [tilespmem:s21+$0x2D00]  }
0x2a9: {  	v28 =	vmul.f32 v28, v29;
	v29 =	vmul.f32 v13, v0;
	v0 =	vld [tilespmem:$0x1F360]  }
0x2aa: {  	v13 =	vld [tilespmem:$0x1F370]  }
0x2ab: {  	v37 =	vld [tilespmem:s21+$0x510]  }
0x2ac: {  	v16 =	vld [tilespmem:s21+$0x2D10];
	v1 =	vadd.f32 v2, v1;
	v2 =	vmul.f32 v31, v62  }
0x2ad: {  	v46 =	vld [tilespmem:s21+$0x2BB0]  }
0x2ae: {  	v33 =	vmul.f32 v33, v61;
	v1 =	vadd.f32 v2, v1;
	v2 =	vld [tilespmem:$0x1F380]  }
0x2af: {  	v0 =	vmul.f32 v13, v0;
	v13 =	vld [tilespmem:$0x1F390]  }
0x2b0: {  	v39 =	vld [tilespmem:s21+$0x420];
	v21 =	vadd.f32 v28, v33  }
0x2b1: {  	v26 =	vld [tilespmem:s21+$0x2C20]  }
0x2b2: {  	v42 =	vld [tilespmem:s21+$0x490];
	v21 =	vadd.f32 v22, v21  }
0x2b3: {  	v23 =	vld [tilespmem:$0x1F3B0]  }
0x2b4: {  	v3 =	vadd.f32 v3, v21;
	v2 =	vmul.f32 v13, v2;
	v13 =	vld [tilespmem:$0x1F3A0]  }
0x2b5: {  	v41 =	vld [tilespmem:s21+$0x2C90]  }
0x2b6: {  	v25 =	vld [tilespmem:s21+$0x3A0];
	v18 =	vmul.f32 v18, v47;
	v3 =	vadd.f32 v5, v3;
	v5 =	vmul.f32 v51, v20  }
0x2b7: {  	v24 =	vld [tilespmem:s21+$0x2BA0]  }
0x2b8: {  	v31 =	vld [tilespmem:$0x1F3D0];
	v3 =	vadd.f32 v7, v3;
	v5 =	vadd.f32 v18, v5;
	v7 =	vmul.f32 v32, v59  }
0x2b9: {  	v23 =	vmul.f32 v23, v13;
	v13 =	vld [tilespmem:$0x1F3C0]  }
0x2ba: {  	v19 =	vld [tilespmem:s21+$0x400];
	v9 =	vmul.f32 v52, v38;
	v5 =	vadd.f32 v7, v5  }
0x2bb: {  	v7 =	vld [tilespmem:$0x1F4E0];
	v0 =	vadd.f32 v0, v1;
	v1 =	vadd.f32 v23, v2  }
0x2bc: {  	v3 =	vadd.f32 v9, v3;
	v9 =	vld [tilespmem:$0x1F4F0]  }
0x2bd: {  	[tilespmem:$0x1FB70] =	vst v1;
	v1 =	vld [tilespmem:s21+$0x2940]  }
0x2be: {  	v33 =	vmul.f32 v31, v13;
	v13 =	vld [tilespmem:$0x1F3E0]  }
0x2bf: {  	v31 =	vld [tilespmem:$0x1F3F0]  }
0x2c0: {  	v54 =	vld [tilespmem:s21+$0x2C10]  }
0x2c1: {  	v21 =	vld [tilespmem:$0x1F400]  }
0x2c2: {  	v4 =	vadd.f32 v4, v0;
	v2 =	vld [tilespmem:$0x1F430]  }
0x2c3: {  	v7 =	vmul.f32 v9, v7;
	[tilespmem:$0x1FBC0] =	vst v1;
	v1 =	vld [tilespmem:$0x1F420]  }
0x2c4: {  	v11 =	vmul.f32 v44, v11;
	v4 =	vadd.f32 v6, v4;
	v44 =	vmul.f32 v31, v13;
	v31 =	vld [tilespmem:$0x1F410]  }
0x2c5: {  	v9 =	vmul.f32 v49, v17;
	v17 =	vadd.f32 v12, v3;
	v3 =	vadd.f32 v7, v5;
	v5 =	vld [tilespmem:$0x1F510]  }
0x2c6: {  	v8 =	vadd.f32 v8, v4;
	v4 =	vld [tilespmem:$0x1F500]  }
0x2c7: {  	v45 =	vld [tilespmem:s21+$0x2B0]  }
0x2c8: {  	v7 =	vld [tilespmem:$0x1F530]  }
0x2c9: {  	v62 =	vmul.f32 v31, v21;
	v31 =	vmul.f32 v2, v1;
	v1 =	vld [tilespmem:$0x1F440]  }
0x2ca: {  	v2 =	vld [tilespmem:$0x1F450]  }
0x2cb: {  	v60 =	vmul.f32 v5, v4;
	v5 =	vld [tilespmem:$0x1F520]  }
0x2cc: {  	v18 =	vld [tilespmem:$0x1F4B0]  }
0x2cd: {  	v6 =	vld [tilespmem:$0x1F4A0]  }
0x2ce: {  	v61 =	vld [tilespmem:s21+$0x2B90];
	v16 =	vmul.f32 v16, v37  }
0x2cf: {  	v12 =	vld [tilespmem:$0x1F580];
	v2 =	vmul.f32 v2, v1  }
0x2d0: {  	v59 =	vmul.f32 v7, v5;
	v7 =	vadd.f32 v16, v9;
	v9 =	vld [tilespmem:$0x1F550]  }
0x2d1: {  	v2 =	vadd.f32 v2, v3;
	v3 =	vld [tilespmem:$0x1F540]  }
0x2d2: {  	v63 =	vmul.f32 v18, v6;
	v6 =	vld [tilespmem:$0x1F4C0]  }
0x2d3: {  	v16 =	vld [tilespmem:$0x1F590]  }
0x2d4: {  	v18 =	vld [tilespmem:$0x1F4D0]  }
0x2d5: {  	v4 =	vadd.f32 v11, v8;
	v8 =	vmul.f32 v50, v34;
	v11 =	vld [tilespmem:$0x1F570]  }
0x2d6: {  	v3 =	vmul.f32 v9, v3;
	v9 =	vld [tilespmem:$0x1F560]  }
0x2d7: {  	v7 =	vadd.f32 v8, v7;
	v8 =	vld [tilespmem:$0x1F5A0]  }
0x2d8: {  	v16 =	vmul.f32 v16, v12;
	v12 =	vld [tilespmem:$0x1F5B0]  }
0x2d9: {  	v47 =	vld [tilespmem:s21+$0x2B00]  }
0x2da: {  	v37 =	vld [tilespmem:s21+$0x310]  }
0x2db: {  	v55 =	vld [tilespmem:s21+$0x2C00];
	v11 =	vmul.f32 v11, v9  }
0x2dc: {  	v6 =	vmul.f32 v18, v6;
	v18 =	vld [tilespmem:$0x1F5D0]  }
0x2dd: {  	v8 =	vmul.f32 v12, v8;
	v12 =	vld [tilespmem:$0x1F5C0];
	v3 =	vadd.f32 v11, v3  }
0x2de: {  	v11 =	vld [tilespmem:$0x1F5F0]  }
0x2df: {  	[tilespmem:$0x1FD60] =	vst v3;
	v3 =	vld [tilespmem:$0x1F5E0]  }
0x2e0: {  	v38 =	vld [tilespmem:s21+$0x150]  }
0x2e1: {  	v52 =	vld [tilespmem:s21+$0x2B80]  }
0x2e2: {  	v57 =	vld [tilespmem:s21+$0x410]  }
0x2e3: {  	v36 =	vmul.f32 v18, v12;
	v12 =	vld [tilespmem:$0x1F610]  }
0x2e4: {  	v3 =	vmul.f32 v11, v3;
	v11 =	vld [tilespmem:$0x1F600]  }
0x2e5: {  	v14 =	vld [tilespmem:s21+$0x2950]  }
0x2e6: {  	v28 =	vld [tilespmem:s21+$0x380]  }
0x2e7: {  	v20 =	vld [tilespmem:$0x1F470]  }
0x2e8: {  	v7 =	vadd.f32 v8, v7;
	v8 =	vld [tilespmem:$0x1F620]  }
0x2e9: {  	v2 =	vadd.f32 v33, v2;
	v33 =	vmul.f32 v12, v11;
	v11 =	vld [tilespmem:$0x1F630]  }
0x2ea: {  	v1 =	vld [tilespmem:$0x1F460]  }
0x2eb: {  	v22 =	vld [tilespmem:s21+$0x390]  }
0x2ec: {  	v21 =	vld [tilespmem:$0x1F490]  }
0x2ed: {  	v12 =	vld [tilespmem:$0x1F650]  }
0x2ee: {  	v11 =	vmul.f32 v11, v8;
	v8 =	vld [tilespmem:$0x1F640]  }
0x2ef: {  	v1 =	vmul.f32 v20, v1;
	v20 =	vld [tilespmem:$0x1F480]  }
0x2f0: {  	v6 =	vadd.f32 v6, v7;
	v7 =	vmul.f32 v55, v19;
	v19 =	vld [tilespmem:$0x1F680]  }
0x2f1: {  	v18 =	vmul.f32 v61, v22;
	v22 =	vld [tilespmem:$0x1F690]  }
0x2f2: {  	v14 =	vmul.f32 v14, v38;
	v38 =	vld [tilespmem:s21+$0x2910]  }
0x2f3: {  	v30 =	vld [tilespmem:s21+$0x2AB0];
	v10 =	vadd.f32 v10, v2;
	v8 =	vmul.f32 v12, v8;
	v12 =	vmul.f32 v54, v57  }
0x2f4: {  	v53 =	vld [tilespmem:s21+$0x230];
	v6 =	vadd.f32 v31, v6;
	v20 =	vmul.f32 v21, v20  }
0x2f5: {  	v40 =	vld [tilespmem:s21+$0x2A0];
	v21 =	vadd.f32 v58, v10;
	v7 =	vadd.f32 v12, v7;
	v12 =	vmul.f32 v26, v39  }
0x2f6: {  	v10 =	vmul.f32 v52, v28;
	v28 =	vmul.f32 v22, v19;
	v19 =	vadd.f32 v29, v6;
	v6 =	vld [tilespmem:$0x1F6A0]  }
0x2f7: {  	v7 =	vadd.f32 v12, v7;
	v12 =	vld [tilespmem:$0x1F6B0]  }
0x2f8: {  	v51 =	vld [tilespmem:s21+$0x2AA0]  }
0x2f9: {  	(xrf2) =	vadd.scan.msk.f32 $0xffff, v15;
	v15 =	vld [tilespmem:$0x1F740]  }
0x2fa: {  	v32 =	vld [tilespmem:s21+$0x280]  }
0x2fb: {  	v22 =	vld [tilespmem:$0x1F6D0];
	v10 =	vadd.f32 v18, v10;
	v18 =	vmul.f32 v24, v25  }
0x2fc: {  	v12 =	vmul.f32 v12, v6;
	v6 =	vld [tilespmem:$0x1F6C0]  }
0x2fd: {  	v10 =	vadd.f32 v18, v10;
	v18 =	vld [tilespmem:$0x1F6E0]  }
0x2fe: {  	v49 =	vld [tilespmem:s21+$0x2B10]  }
0x2ff: {  	(xrf2) =	vadd.scan.msk.f32 $0xffff, v17;
	v17 =	vld [tilespmem:$0x1F7B0]  }
0x300: {  	v0 =	vld [tilespmem:s21+$0x2A30]  }
0x301: {  	v23 =	vld [tilespmem:s21+$0x300];
	v6 =	vmul.f32 v22, v6  }
0x302: {  	v22 =	vmul.f32 v46, v18;
	v18 =	vadd.f32 v56, v19;
	v19 =	vadd.f32 v12, v7;
	v7 =	vld [tilespmem:$0x1F6F0]  }
0x303: {  	v12 =	vld [tilespmem:$0x1F700]  }
0x304: {  	v50 =	vld [tilespmem:s21+$0x2A20]  }
0x305: {  	v34 =	vld [tilespmem:s21+$0x2A80]  }
0x306: {  	v5 =	vld [tilespmem:s21+$0x130]  }
0x307: {  	v13 =	vld [tilespmem:s21+$0x140]  }
0x308: {  	v24 =	vmul.f32 v12, v7;
	v7 =	vld [tilespmem:$0x1F710]  }
0x309: {  	v12 =	vld [tilespmem:$0x1F720]  }
0x30a: {  	v2 =	vld [tilespmem:$0x1F660]  }
0x30b: {  	v31 =	vld [tilespmem:s21+$0x2A00]  }
0x30c: {  	v29 =	vld [tilespmem:s21+$0x200]  }
0x30d: {  	v52 =	vld [tilespmem:s21+$0x2A10]  }
0x30e: {  	v7 =	vmul.f32 v12, v7;
	v12 =	vld [tilespmem:$0x1F730]  }
0x30f: {  	v2 =	vmul.f32 v43, v2;
	v43 =	vld [tilespmem:s21+$0x120]  }
0x310: {  	v9 =	vld [tilespmem:s21+$0x2930]  }
0x311: {  	[tilespmem:$0x1FDF0] =	vst v8;
	v8 =	vld [tilespmem:$0x1F670]  }
0x312: {  	v26 =	vadd.f32 v22, v10;
	v10 =	vld [tilespmem:$0x1F750]  }
0x313: {  	v12 =	vmul.f32 v15, v12;
	v15 =	vld [tilespmem:$0x1F760]  }
0x314: {  	[tilespmem:$0x1FC10] =	vst v20;
	v20 =	vld [tilespmem:s21+$0x220]  }
0x315: {  	v57 =	vld [tilespmem:s21+$0x2A90]  }
0x316: {  	v8 =	vmul.f32 v35, v8;
	v35 =	vld [tilespmem:s21+$0x290]  }
0x317: {  	v19 =	vadd.f32 v11, v19;
	v11 =	vld [tilespmem:$0x1F770]  }
0x318: {  	v22 =	vmul.f32 v15, v10;
	v15 =	vld [tilespmem:$0x1F780]  }
0x319: {  	v25 =	vmul.f32 v41, v42;
	v41 =	vld [tilespmem:s21+$0x2900]  }
0x31a: {  	v42 =	vld [tilespmem:s21+$0x100]  }
0x31b: {  	v39 =	vld [tilespmem:s21+$0x2920]  }
0x31c: {  	v10 =	vadd.f32 v25, v24;
	v24 =	vld [tilespmem:$0x1F7A0]  }
0x31d: {  	v58 =	vmul.f32 v57, v35;
	v11 =	vmul.f32 v15, v11;
	v15 =	vld [tilespmem:$0x1F790]  }
0x31e: {  	v35 =	vmov v27;
	v27 =	vmul.f32 v30, v45;
	v45 =	vmul.f32 v51, v40;
	v51 =	vld [tilespmem:$0x1F800]  }
0x31f: {  	v19 =	vadd.f32 v16, v19;
	v16 =	vld [tilespmem:$0x1F7E0]  }
0x320: {  	v25 =	vadd.f32 v28, v26;
	v28 =	vmul.f32 v34, v32;
	v34 =	vmovc v60;
	v60 =	vmov v13;
	v13 =	vld [tilespmem:$0x1F7D0]  }
0x321: {  	v46 =	vld [tilespmem:s21+$0x210]  }
0x322: {  	p0 =	sne.s32 s22, $0x4;
	v25 =	vadd.f32 v33, v25;
	v15 =	vmul.f32 v24, v15;
	v24 =	vld [tilespmem:$0x1F7C0]  }
.Ltmp0:
0x323: {  	v26 =	vld [tilespmem:s21+$0x110];
	(pc) =	sbr.rel @p0 .LBB2_3-.Ltmp0, $4  }
0x324: {  	v40 =	vadd.f32 v59, v25;
	v25 =	vld [tilespmem:s21+$0x190]  }
0x325: {  	v16 =	vmul.f32 v16, v13;
	v13 =	vadd.f32 v63, v19;
	v63 =	vld [tilespmem:$0x1F7F0]  }
0x326: {  	(xrf2) =	vadd.scan.msk.f32 $0xffff, v4;
	v46 =	vmul.f32 v52, v46;
	v52 =	vmov v48;
	v30 =	vadd.f32 v58, v28;
	v19 =	vld [tilespmem:s21+$0x2980]  }
0x327: {  	s20 =	smov.u32 s22;
	s22 =	sadd.s32 $0x1, s22;
	v59 =	vmovc v44;
	v44 =	vmul.f32 v31, v29;
	v13 =	vadd.f32 v62, v13;
	v24 =	vmul.f32 v24, v17;
	v17 =	vld [tilespmem:s21+$0x180]  }
0x328: {  	v28 =	vld [tilespmem:s21+$0x2990]  }
0x329: {  	v31 =	vld [tilespmem:s21+$0x1A0]  }
0x32a: {  	v1 =	vadd.f32 v1, v40;
	v40 =	vld [tilespmem:s21+$0x29A0]  }
0x32b: {  	v32 =	vmul.f32 v41, v42;
	v41 =	vld [tilespmem:s21+$0x1B0]  }
0x32c: {  	v42 =	vmul.f32 v39, v43;
	v43 =	vld [tilespmem:s21+$0x29B0]  }
0x32d: {  	v4 =	vadd.f32 v45, v30;
	v45 =	vld [tilespmem:s21+$0x1C0]  }
0x32e: {  	v23 =	vmul.f32 v47, v23;
	v47 =	vld [tilespmem:s21+$0x29C0]  }
0x32f: {  	v37 =	vmul.f32 v49, v37;
	v49 =	vld [tilespmem:s21+$0x1D0]  }
0x330: {  	v20 =	vmul.f32 v50, v20;
	v50 =	vld [tilespmem:$0x1FBC0]  }
0x331: {  	v0 =	vmul.f32 v0, v53;
	v53 =	vld [tilespmem:s21+$0x29D0]  }
0x332: {  	v55 =	vld [tilespmem:s21+$0x1E0]  }
0x333: {  	v56 =	vld [tilespmem:$0x1FA80]  }
0x334: {  	v57 =	vld [tilespmem:$0x1FAB0]  }
0x335: {  	v58 =	vld [tilespmem:s21+$0x29E0]  }
0x336: {  	v61 =	vld [tilespmem:$0x1F920]  }
0x337: {  	v62 =	vld [tilespmem:$0x1F930]  }
0x338: {  	v30 =	vld [tilespmem:$0x1F8E0]  }
0x339: {  	v26 =	vmul.f32 v38, v26;
	v38 =	vld [tilespmem:$0x1FDF0]  }
0x33a: {  	v39 =	vld [tilespmem:s21+$0x4F0]  }
0x33b: {  	(xrf2) =	vadd.scan.msk.f32 $0xffff, v21;
	v21 =	vld [tilespmem:$0x1FA70]  }
0x33c: {  	v29 =	vadd.f32 v46, v44;
	v4 =	vadd.f32 v27, v4;
	v27 =	vld [tilespmem:s21+$0x370]  }
0x33d: {  	v26 =	vadd.f32 v26, v32;
	v32 =	vld [tilespmem:s21+$0x2CE0]  }
0x33e: {  	v20 =	vadd.f32 v20, v29;
	v29 =	vld [tilespmem:s21+$0x2B70]  }
0x33f: {  	v4 =	vadd.f32 v24, v4;
	v24 =	vld [tilespmem:s21+$0x2B60]  }
0x340: {  	v46 =	vadd.f32 v42, v26;
	v26 =	vld [tilespmem:$0x1F910]  }
0x341: {  	v42 =	vld [tilespmem:$0x1FD60]  }
0x342: {  	v44 =	vmul.f32 v28, v25;
	v25 =	vld [tilespmem:$0x1F900]  }
0x343: {  	v48 =	vmul.f32 v40, v31;
	v31 =	vld [tilespmem:$0x1F8F0]  }
0x344: {  	v54 =	vmul.f32 v43, v41;
	v41 =	vld [tilespmem:$0x1F8D0]  }
0x345: {  	v43 =	vld [tilespmem:s21+$0x2CF0]  }
0x346: {  	v5 =	vmul.f32 v9, v5;
	v9 =	vmul.f32 v47, v45;
	v47 =	vld [tilespmem:$0x1F8C0];
	v4 =	vadd.f32 v22, v4  }
0x347: {  	v6 =	vadd.f32 v6, v10;
	v23 =	vadd.f32 v37, v23;
	v28 =	vmul.f32 v58, v55;
	v55 =	vld [tilespmem:$0x1FB70]  }
0x348: {  	v58 =	vld [tilespmem:$0x1F880];
	v5 =	vadd.f32 v5, v46;
	v22 =	vmul.f32 v50, v60;
	v4 =	vadd.f32 v8, v4  }
0x349: {  	v17 =	vmul.f32 v19, v17;
	v0 =	vadd.f32 v0, v20;
	v6 =	vadd.f32 v38, v6;
	v60 =	vld [tilespmem:s21+$0x1F0]  }
0x34a: {  	v46 =	vld [tilespmem:$0x1F8B0];
	v5 =	vadd.f32 v22, v5;
	v3 =	vadd.f32 v3, v4;
	v4 =	vmul.f32 v57, v56  }
0x34b: {  	v50 =	vld [tilespmem:$0x1FC10];
	v17 =	vadd.f32 v44, v17;
	v45 =	vadd.f32 v36, v6  }
0x34c: {  	v36 =	vld [tilespmem:$0x1F840];
	v5 =	vadd.f32 v14, v5;
	v14 =	vmul.f32 v62, v61;
	v4 =	vadd.f32 v4, v23  }
0x34d: {  	v0 =	vadd.f32 v16, v0;
	v8 =	vmul.f32 v53, v49;
	v53 =	vld [tilespmem:s21+$0x670];
	v17 =	vadd.f32 v48, v17  }
0x34e: {  	v22 =	vld [tilespmem:s21+$0x7F0];
	v5 =	vadd.f32 v11, v5;
	v11 =	vmul.f32 v26, v25;
	v4 =	vadd.f32 v14, v4  }
0x34f: {  	v49 =	vmul.f32 v29, v27;
	v29 =	vld [tilespmem:$0x1F850];
	v0 =	vadd.f32 v15, v0;
	v17 =	vadd.f32 v54, v17  }
0x350: {  	v48 =	vld [tilespmem:s21+$0x2E60];
	v5 =	vadd.f32 v7, v5;
	v7 =	vmul.f32 v31, v30;
	v4 =	vadd.f32 v11, v4  }
0x351: {  	v0 =	vadd.f32 v12, v0;
	v23 =	vld [tilespmem:s21+$0x29F0];
	v9 =	vadd.f32 v9, v17  }
0x352: {  	v56 =	vld [tilespmem:s21+$0x2E70];
	v40 =	vadd.f32 v7, v4;
	v4 =	vadd.f32 v34, v42  }
0x353: {  	v54 =	vld [tilespmem:$0x1F8A0];
	v0 =	vadd.f32 v2, v0  }
0x354: {  	(xrf2) =	vadd.scan.msk.f32 $0xffff, v18;
	v2 =	vmul.f32 v24, v41;
	v24 =	vld [tilespmem:$0x1F9A0];
	v8 =	vadd.f32 v8, v9;
	v4 =	vadd.f32 v50, v4  }
0x355: {  	(xrf2) =	vadd.scan.msk.f32 $0xffff, v13;
	v30 =	vld [tilespmem:$0x1F860]  }
0x356: {  	(xrf2) =	vadd.scan.msk.f32 $0xffff, v1;
	v33 =	vadd.f32 v28, v8;
	v37 =	vmul.f32 v23, v60;
	v57 =	vadd.f32 v59, v4;
	v59 =	vld [tilespmem:$0x1F890]  }
0x357: {  	(xrf2) =	vadd.scan.msk.f32 $0xffff, v3;
	v60 =	vld [tilespmem:s21+$0x2FE0]  }
0x358: {  	v10 =	vadd.f32 v35, v55;
	v6 =	vmul.f32 v47, v46;
	(xrf2) =	vadd.scan.msk.f32 $0xffff, v0;
	v23 =	vld [tilespmem:$0x1F870];
	v44 =	vadd.f32 v37, v33  }
0x359: {  	(xrf2) =	vadd.scan.msk.f32 $0xffff, v5;
	v34 =	vld [tilespmem:$0x1F830];
	v2 =	vadd.f32 v2, v40  }
0x35a: {  	v1 =	vadd.f32 v6, v45;
	v9 =	vadd.f32 v21, v10;
	v6 =	vmul.f32 v32, v54;
	v11, _, _ =	vpop (xrf2);
	v33 =	vld [tilespmem:$0x1F820];
	(xrf2) =	vadd.scan.msk.f32 $0xffff, v44  }
0x35b: {  	v37 =	vld [tilespmem:$0x1F950];
	v2 =	vadd.f32 v49, v2;
	v4, _, _ =	vpop (xrf2);
	v12 =	vmul.f32 v59, v58  }
0x35c: {  	v61 =	vmul.f32 v43, v39;
	v41 =	vld [tilespmem:$0x1F810];
	v27 =	vadd.f32 v51, v9;
	v1 =	vadd.f32 v6, v1;
	v62, _, _ =	vpop (xrf2)  }
0x35d: {  	v26 =	vld [tilespmem:s21+$0x2FF0];
	v15 =	vmul.f32 v30, v29;
	v8 =	vmul.f32 v48, v23;
	(xrf2) =	vadd.scan.msk.f32 $0xffff, v2;
	v25, _, _ =	vpop (xrf2);
	v3 =	vadd.f32 v12, v57  }
0x35e: {  	v35 =	vld [tilespmem:s21+$0x30E0];
	v1 =	vadd.f32 v61, v1;
	v28, _, _ =	vpop (xrf2);
	v12 =	vadd.f32 v24, v52  }
0x35f: {  	v31 =	vld [tilespmem:s21+$0x8E0];
	v0 =	vmul.f32 v56, v53;
	v6 =	vadd.f32 v15, v27;
	v32, _, _ =	vpop (xrf2);
	v3 =	vadd.f32 v8, v3  }
0x360: {  	v39 =	vld [tilespmem:s21+$0x8F0];
	v13 =	vmul.f32 v60, v36;
	(xrf2) =	vadd.scan.msk.f32 $0xffff, v1;
	v38, _, _ =	vpop (xrf2);
	v8 =	vmul.f32 v34, v33;
	v12 =	vadd.f32 v37, v12  }
0x361: {  	v18 =	vmul.f32 v41, v63;
	v42 =	vld [tilespmem:s21+$0x30F0];
	v40, _, _ =	vpop (xrf2);
	v0 =	vadd.f32 v0, v3  }
0x362: {  	v6 =	vadd.f32 v13, v6;
	v2 =	vmul.f32 v26, v22;
	v43, _, _ =	vpop (xrf2);
	v8 =	vadd.f32 v8, v12  }
0x363: {  	v44, _, _ =	vpop (xrf2);
	(xrf2) =	vadd.scan.msk.f32 $0xffff, v0  }
0x364: {  	v46 =	vmul.f32 v35, v31;
	v2 =	vadd.f32 v2, v6;
	v47, _, _ =	vpop (xrf2);
	v45 =	vadd.f32 v18, v8  }
0x365: {  	v12 =	vbroadcast v47, $0xF;
	v0 =	vbroadcast v44, $0xF  }
0x366: {  	v1 =	vmul.f32 v42, v39;
	v48 =	vbroadcast v43, $0xF;
	(xrf2) =	vadd.scan.msk.f32 $0xffff, v2;
	v6 =	vadd.f32 v46, v45  }
0x367: {  	v3 =	vbroadcast v40, $0xF;
	v49, _, _ =	vpop (xrf2);
	v0 =	vsel vm0, v0, v12  }
0x368: {  	v50 =	vbroadcast v49, $0xF;
	v0 =	vsel vm1, v0, v48;
	v1 =	vadd.f32 v1, v6  }
0x369: {  	v51 =	vbroadcast v38, $0xF;
	v0 =	vsel vm2, v0, v3  }
0x36a: {  	v52 =	vbroadcast v32, $0xF;
	v53, _, _ =	vpop (xrf2);
	v0 =	vsel vm3, v0, v50;
	(xrf2) =	vadd.scan.msk.f32 $0xffff, v1  }
0x36b: {  	v0 =	vsel vm4, v0, v51;
	v1 =	vbroadcast v53, $0xF  }
0x36c: {  	v54 =	vbroadcast v28, $0xF;
	v0 =	vsel vm5, v0, v52  }
0x36d: {  	v55 =	vbroadcast v25, $0xF;
	v0 =	vsel vm6, v0, v1;
	v56, _, _ =	vpop (xrf2)  }
0x36e: {  	v0 =	vsel vm7, v0, v54;
	v57 =	vbroadcast v56, $0xF  }
0x36f: {  	v58 =	vbroadcast v62, $0xF;
	v0 =	vsel vm8, v0, v55  }
0x370: {  	v59 =	vbroadcast v4, $0xF;
	v60, _, _ =	vpop (xrf2);
	v0 =	vsel vm9, v0, v57  }
0x371: {  	v61 =	vbroadcast v60, $0xF;
	v0 =	vsel vm10, v0, v58  }
0x372: {  	v62 =	vbroadcast v11, $0xF;
	v0 =	vsel vm11, v0, v59  }
0x373: {  	v0 =	vsel vm12, v0, v61  }
0x374: {  	v63, _, _ =	vpop (xrf2);
	v0 =	vsel vm13, v0, v62  }
0x375: {  	v0 =	vsel vm14, v0, v63  }
0x376: {  	v0 =	vsub.f32 $0.0e+00, v0;
	_ =	sdelay $0x1  }
0x377: {  	v0 =	vmul.f32 $1.442695020e+00, v0;
	_ =	sdelay $0x1  }
0x378: {  	(erf) = vpow2.f32 v0;
	_ =	sdelay $0x8  }
0x379: {  	v0 =	vpop (erf)  }
0x37a: {  	v0 =	vadd.f32 $1.000000000e+00, v0;
	_ =	sdelay $0x1  }
0x37b: {  	(erf) = vrcp.f32 v0;
	_ =	sdelay $0x7  }
0x37c: {  	s20 =	sshll.u32 s20, $0x4;
	s18 =	sadd.s32 $0x1, s18  }
0x37d: {  	s20 =	sand.u32 $0x3FFFFFF0, s20;
	p0 =	sne.s32 s18, $0x7D;
	v0 =	vpop (erf)  }
.Ltmp1:
0x37e: {  	s19 =	sadd.s32 s3, s19;
	[tilespmem:s20+$0x5100] =	vst v0;
	(pc) =	sbr.rel @p0 .LBB2_2-.Ltmp1, $4  }
0x37f: {  	[hbm4b:s19+s5] =	stream.linear.scatter [tilespmem:s16], [sflag:$0x3], $0x50, $0x38;
	[tilespmem:$0x5180] =	vst v63  }
0x380: {  	_ =	swait.ge [sflag:s9], $0x50  }
0x381: {  	[sflag:s9] =	ssyncset.done $0x0  }
0x382: {  	[sflag:s9] =	ssyncadd.s32 $0xFFFFFFB0  }
0x383: {  	s17 =	sadd.s32 $0x1, s17  }
0x384: {  	p0 =	sne.s32 s17, s8  }
.Ltmp2:
0x385: {  	_ = 	snop;
	(pc) =	sbr.rel @p0 .LBB2_1-.Ltmp2, $1  }
0x386: {  	_ =	sdelay $0x3  }
0x387: {  	_ =	sfence.sel $0x180000  }
0x388: {  	[bflag:$0x0] =	sbarrier.arrive $0xFFFF  }
0x389: {  	p0 =	sne.s32 s4, $0x0;
	_ =	strace $0x90000047  }
0x38a: {  	s0 =	sadd.s32 @!p0 $0x100000, s0;
	[bflag:$0x2] =	sbarrier.arrive $0xFFFF  }
0x38b: {  	[sflag:s0] =	ssyncadd.tile.s32 @!p0 $0x1;
	_ =	shalt  }
.Lfunc_end2:
_tile_overlayer_lowered:
.L_overlay_start_2:
0x38c: {  	(tag) =	ssettag $0x2  }
0x38d: {  	s0 =	rddreg [dreg:$0x0];
	s2 =	stileid.u32  }
0x38e: {  	s1 =	rddreg [dreg:$0x1];
	p0 =	sne.s32 s2, $0x0  }
0x38f: {  	s3 =	rddreg [dreg:$0x2];
	[bflag:$0x3] =	sbarrier.arrive $0xFFFF;
	s2 =	simm.s32 @!p0 $0x1C03  }
0x390: {  	[timem:s3], [sflag:s2] =	dma.local @!p0 [hbm:s0], s1  }
0x391: {  	s0 =	simm.s32 @!p0 $0x3  }
0x392: {  	_ =	swait.ge @!p0 [sflag:s0], s1  }
0x393: {  	s1 =	ssub.s32 @!p0 $0x0, s1;
	[sflag:s0] =	ssyncset.done @!p0 $0x0  }
0x394: {  	[sflag:s0] =	ssyncadd.s32 @!p0 s1  }
0x395: {  	[bflag:$0x3] =	sbarrier.arrive $0xFFFF  }
0x396: {  	_ =	shalt  }

</sc_bundles>
